<compile_context>
chip_gen: v7x
topology: tpu7x:2x2x1
jax: 0.10.2.dev20260603
libtpu: 0.0.44.dev20260713+nightly
codegen_flags: <defaults>
</compile_context>

<pallas_src>
import functools

import jax
import jax.numpy as jnp
import numpy as np
from jax import lax
from jax.experimental import pallas as pl
from jax.experimental.pallas import tpu as pltpu
from jax.experimental.pallas import tpu_sc as plsc

_C = 19
_SUB = 128
_HALF = _SUB // 2
_LANE = 1024
_CHUNK = _SUB * _LANE
_T = 2048
_NW = 32
_SC_B = 2
_IGNORE = 255
_LN2 = 0.6931471805599453
_SQRT2 = 1.4142135623730951


def _ln16(x):
    bits = lax.bitcast_convert_type(x, jnp.int32)
    e = ((bits >> 23) & 0xFF) - 127
    m = lax.bitcast_convert_type(
        (bits & 0x007FFFFF) | 0x3F800000, jnp.float32)
    big = m > _SQRT2
    m = jnp.where(big, m * 0.5, m)
    ef = jnp.where(big, e + 1, e).astype(jnp.float32)
    z = (m - 1.0) / (m + 1.0)
    z2 = z * z
    p = jnp.float32(1.0 / 9.0)
    p = p * z2 + jnp.float32(1.0 / 7.0)
    p = p * z2 + jnp.float32(1.0 / 5.0)
    p = p * z2 + jnp.float32(1.0 / 3.0)
    p = p * z2 + 1.0
    return ef * jnp.float32(_LN2) + (2.0 * z) * p


def _sc_body(logits_hbm, labels_hbm, parts_hbm, loss_hbm, xbuf, lbuf, obuf,
             stage, cnt_acc, sm_acc, vd_acc, *, b0, thresh):
    nc = 2
    wid = lax.axis_index("s") * nc + lax.axis_index("c")
    per_b = logits_hbm.shape[2]
    n_sc_pix = _SC_B * per_b
    pw = n_sc_pix // _NW
    wpb = per_b // pw
    b = b0 + wid // wpb
    base = (wid % wpb) * pw

    def _tree(vals):
        while len(vals) > 1:
            vals = [a + b_ for a, b_ in zip(vals[::2], vals[1::2])] + (
                [vals[-1]] if len(vals) % 2 else [])
        return vals[0]

    def g_body(g, carry):
        cnt = cnt_acc[...]
        sm = sm_acc[...]
        vd = vd_acc[...]
        for half in range(2):
            ds = pl.ds(g * 32 + half * 16, 16)
            lab = lbuf[ds]
            vs = [xbuf[c, ds] for c in range(_C)]
            zf16 = jnp.zeros_like(vs[0])
            of16 = zf16 + 1.0
            acc_e = _tree([jnp.exp(v) for v in vs])
            acc_l = _tree(
                [jnp.where(lab == c, vs[c], zf16) for c in range(_C)])
            valid = lab != _IGNORE
            loss = jnp.where(valid, _ln16(acc_e) - acc_l, zf16)
            obuf[ds] = loss
            mask = loss > thresh
            cnt = cnt + jnp.where(mask, of16, zf16)
            sm = sm + jnp.where(mask, loss, zf16)
            vd = vd + jnp.where(valid, of16, zf16)
        cnt_acc[...] = cnt
        sm_acc[...] = sm
        vd_acc[...] = vd
        return carry

    def tile_body(i, carry):
        off = base + i * _T
        pltpu.sync_copy(logits_hbm.at[b, :, pl.ds(off, _T)], xbuf)
        pltpu.sync_copy(labels_hbm.at[b, pl.ds(off, _T)], lbuf)
        carry = lax.fori_loop(0, _T // 32, g_body, carry)
        pltpu.sync_copy(obuf, loss_hbm.at[b - b0, pl.ds(off, _T)])
        return carry

    zf = jnp.zeros((16,), jnp.float32)
    cnt_acc[...] = zf
    sm_acc[...] = zf
    vd_acc[...] = zf
    lax.fori_loop(0, pw // _T, tile_body, 0)

    stage[pl.ds(0, 16)] = cnt_acc[...]
    stage[pl.ds(16, 16)] = sm_acc[...]
    stage[pl.ds(32, 16)] = vd_acc[...]
    stage[pl.ds(48, 16)] = zf
    pltpu.sync_copy(stage, parts_hbm.at[wid])


def _tc_body(logits_a, logits_b, labels_ref, loss_out, sums_ref, cnt_acc,
             sum_acc, vld_acc, *, n_steps, thresh):
    i = pl.program_id(0)

    lab = labels_ref[0]

    @pl.when(i == 0)
    def _init():
        cnt_acc[...] = jnp.zeros_like(cnt_acc)
        sum_acc[...] = jnp.zeros_like(sum_acc)
        vld_acc[...] = jnp.zeros_like(vld_acc)

    for h, ref in ((0, logits_a), (1, logits_b)):
        labh = lab[h * _HALF:(h + 1) * _HALF]
        acc_e = jnp.zeros((_HALF, _LANE), jnp.float32)
        acc_l = jnp.zeros((_HALF, _LANE), jnp.float32)
        for c in range(_C):
            s = ref[0, c, 0, 0]
            acc_e += jnp.exp(s)
            acc_l = jnp.where(labh == c, s, acc_l)

        valid = labh != _IGNORE
        loss = jnp.where(valid, jnp.log(acc_e) - acc_l, 0.0)
        loss_out[0, h * _HALF:(h + 1) * _HALF] = loss
        mask = loss > thresh
        cnt_acc[...] += mask.astype(jnp.float32)
        sum_acc[...] += jnp.where(mask, loss, 0.0)
        vld_acc[...] += valid.astype(jnp.float32)

    @pl.when(i == n_steps - 1)
    def _finalize():
        sums_ref[0] = jnp.sum(cnt_acc[...])
        sums_ref[1] = jnp.sum(sum_acc[...])
        sums_ref[2] = jnp.sum(vld_acc[...])


def _fin_body(parts_ref, tcsums_ref, loss_tc, loss_sc, out_ref, lscr, sem,
              *, n_min_static, tc_rows):
    parts = parts_ref[...]
    n_hard_f = jnp.sum(parts[:, 0:16]) + tcsums_ref[0]
    hard_sum = jnp.sum(parts[:, 16:32]) + tcsums_ref[1]
    n_valid_f = jnp.sum(parts[:, 32:48]) + tcsums_ref[2]
    n_hard = n_hard_f.astype(jnp.int32)
    n_min = n_valid_f.astype(jnp.int32) // 16
    few = n_hard < n_min

    @pl.when(jnp.logical_not(few))
    def _many():
        out_ref[0] = hard_sum / n_hard_f

    @pl.when(few)
    def _few():
        cp1 = pltpu.make_async_copy(loss_tc, lscr.at[pl.ds(0, tc_rows)], sem)
        cp1.start()
        cp1.wait()
        cp2 = pltpu.make_async_copy(
            loss_sc, lscr.at[pl.ds(tc_rows, lscr.shape[0] - tc_rows)], sem)
        cp2.start()
        cp2.wait()
        k = n_min_static
        lv = lscr[...]
        bits = lax.bitcast_convert_type(lv, jnp.int32)

        def body(j, ans):
            trial = ans | (1 << (30 - j))
            c = jnp.sum((bits > trial).astype(jnp.int32))
            return jnp.where(c >= k, trial, ans)

        ans = lax.fori_loop(0, 31, body, jnp.int32(0))
        c0 = jnp.sum((bits > 0).astype(jnp.int32))
        tbits = jnp.where(c0 >= k, ans + 1, 0)
        t = lax.bitcast_convert_type(tbits, jnp.float32)
        gt = bits > tbits
        cnt_gt = jnp.sum(gt.astype(jnp.int32))
        sum_gt = jnp.sum(jnp.where(gt, lv, 0.0))
        out_ref[0] = (
            sum_gt + (k - cnt_gt).astype(jnp.float32) * t
        ) / jnp.float32(k)


def kernel(logits, labels):
    b, c, h, w = logits.shape
    per_b = h * w
    n_pix = b * per_b
    tc_b = b - _SC_B
    chunks_per_b = per_b // _CHUNK
    n_steps = tc_b * chunks_per_b
    thresh = float(-np.log(np.float32(0.7)))

    logits3 = logits.reshape(b, c, per_b)
    labels2 = labels.reshape(b, per_b)

    mesh = plsc.VectorSubcoreMesh(core_axis_name="c", subcore_axis_name="s")
    sc = pl.kernel(
        functools.partial(_sc_body, b0=tc_b, thresh=thresh),
        out_type=(
            jax.ShapeDtypeStruct((_NW, 64), jnp.float32),
            jax.ShapeDtypeStruct((_SC_B, per_b), jnp.float32),
        ),
        mesh=mesh,
        scratch_types=[
            pltpu.VMEM((_C, _T), jnp.float32),
            pltpu.VMEM((_T,), jnp.int32),
            pltpu.VMEM((_T,), jnp.float32),
            pltpu.VMEM((64,), jnp.float32),
            pltpu.VMEM((16,), jnp.float32),
            pltpu.VMEM((16,), jnp.float32),
            pltpu.VMEM((16,), jnp.float32),
        ],
    )
    parts, loss_sc = sc(logits3, labels2)

    logits6 = logits.reshape(b, c, chunks_per_b, 2, _HALF, _LANE)
    labels3 = labels.reshape(b * chunks_per_b, _SUB, _LANE)

    spec_half = lambda half: pl.BlockSpec(
        (1, c, 1, 1, _HALF, _LANE),
        lambda i: (i // chunks_per_b, 0, i % chunks_per_b, half, 0, 0))

    loss_tc, tcsums = pl.pallas_call(
        functools.partial(_tc_body, n_steps=n_steps, thresh=thresh),
        grid=(n_steps,),
        in_specs=[
            spec_half(0),
            spec_half(1),
            pl.BlockSpec((1, _SUB, _LANE), lambda i: (i, 0, 0)),
        ],
        out_specs=[
            pl.BlockSpec((1, _SUB, _LANE), lambda i: (i, 0, 0)),
            pl.BlockSpec(memory_space=pltpu.SMEM),
        ],
        out_shape=[
            jax.ShapeDtypeStruct((n_steps, _SUB, _LANE), jnp.float32),
            jax.ShapeDtypeStruct((3,), jnp.float32),
        ],
        scratch_shapes=[
            pltpu.VMEM((_HALF, _LANE), jnp.float32),
            pltpu.VMEM((_HALF, _LANE), jnp.float32),
            pltpu.VMEM((_HALF, _LANE), jnp.float32),
        ],
    )(logits6, logits6, labels3)

    sc_rows = _SC_B * per_b // (_SUB * _LANE)
    loss_sc3 = loss_sc.reshape(sc_rows, _SUB, _LANE)

    fin = pl.pallas_call(
        functools.partial(_fin_body, n_min_static=n_pix // 16,
                          tc_rows=n_steps),
        in_specs=[
            pl.BlockSpec((_NW, 64), lambda: (0, 0)),
            pl.BlockSpec(memory_space=pltpu.SMEM),
            pl.BlockSpec(memory_space=pl.ANY),
            pl.BlockSpec(memory_space=pl.ANY),
        ],
        out_specs=pl.BlockSpec(memory_space=pltpu.SMEM),
        out_shape=jax.ShapeDtypeStruct((1,), jnp.float32),
        scratch_shapes=[
            pltpu.VMEM((n_steps + sc_rows, _SUB, _LANE), jnp.float32),
            pltpu.SemaphoreType.DMA,
        ],
    )(parts, tcsums, loss_tc, loss_sc3)
    return fin[0]

# --- scband reference (transcript-rebuilt; emitter-appended) ---
"""Pipeline reference for scband-ohem-celoss-16200616640597 (READ-ONLY COPY).

The authoritative reference and input builder live on the scoring server;
editing this copy changes nothing except your own understanding.
"""

import jax, jax.numpy as jnp
import numpy as np


def setup_inputs(seed: int = 0) -> dict:
    key = jax.random.key(seed)
    k1, k2 = jax.random.split(key)
    logits = jax.random.normal(k1, (8, 19, 512, 512), dtype=jnp.float32)
    labels = jax.random.randint(k2, (8, 512, 512), 0, 19).astype(jnp.int32)
    return {"logits": logits, "labels": labels}


def reference(logits, labels):
    thresh = -jnp.log(jnp.asarray(0.7, dtype=jnp.float32))
    ignore_index = 255
    valid = labels != ignore_index
    # n_min = number of non-ignored labels // 16 (labels always in [0, 19), so
    # valid is all-True and this equals labels.size // 16; the traced value is
    # kept for the comparison, the static shape-derived value for top_k's k)
    n_min = jnp.sum(valid) // 16
    n_min_static = labels.size // 16
    # CrossEntropyLoss(reduction='none', ignore_index): per-pixel NLL of log-softmax over class dim
    logp = jax.nn.log_softmax(logits, axis=1)
    labels_safe = jnp.where(valid, labels, 0)
    nll = -jnp.take_along_axis(logp, labels_safe[:, None, :, :], axis=1)[:, 0]
    loss = jnp.where(valid, nll, 0.0).reshape(-1)
    mask = loss > thresh
    n_hard = jnp.sum(mask)

    def _few_hard(_):
        loss_hard = jax.lax.top_k(loss, n_min_static)[0]
        return jnp.mean(loss_hard)

    def _many_hard(_):
        # mean over hard examples (equivalent to loss[loss > thresh].mean())
        return jnp.sum(jnp.where(mask, loss, 0.0)) / n_hard.astype(jnp.float32)

    return jax.lax.cond(n_hard < n_min, _few_hard, _many_hard, None)

if __name__ == "__main__":
    import jax
    _d = setup_inputs()
    print(jax.jit(kernel)(*tuple(_d.values())))

</pallas_src>

<mosaic_0001>
#map = affine_map<(d0, d1) -> (0, 0, 0)>
#map1 = affine_map<(d0, d1) -> (0, 0)>
module attributes {stable_mosaic.version = 14 : i64} {
  func.func @_sc_body(%arg0: i32, %arg1: i32, %arg2: memref<8x19x262144xf32, #tpu.memory_space<hbm>>, %arg3: memref<8x262144xi32, #tpu.memory_space<hbm>>, %arg4: memref<32x64xf32, #tpu.memory_space<hbm>>, %arg5: memref<2x262144xf32, #tpu.memory_space<hbm>>, %arg6: memref<19x2048xf32, #tpu.memory_space<vmem>>, %arg7: memref<2048xi32, #tpu.memory_space<vmem>>, %arg8: memref<2048xf32, #tpu.memory_space<vmem>>, %arg9: memref<64xf32, #tpu.memory_space<vmem>>, %arg10: memref<16xf32, #tpu.memory_space<vmem>>, %arg11: memref<16xf32, #tpu.memory_space<vmem>>, %arg12: memref<16xf32, #tpu.memory_space<vmem>>) attributes {dimension_semantics = [#tpu.dimension_semantics<core_parallel>, #tpu.dimension_semantics<subcore_parallel>], iteration_bounds = array<i64: 2, 16>, scalar_prefetch = 0 : i64, scratch_operands = 7 : i64, tpu.core_type = #tpu.core_type<sc_vector_subcore>, window_params = [{transform_indices = #map}, {transform_indices = #map1}, {transform_indices = #map1}, {transform_indices = #map1}]} {
    %mul3A = arith.constant 2 : i32
    %mul3A_0 = arith.muli %arg1, %mul3A : i32
    %add3A = arith.addi %mul3A_0, %arg0 : i32
    %jit3A = arith.constant 16 : i32
    %div3A = arith.divsi %add3A, %jit3A : i32
    %sign3A = arith.constant 0 : i32
    %sign3A_1 = arith.cmpi sgt, %add3A, %sign3A : i32
    %sign3A_2 = arith.extui %sign3A_1 : i1 to i32
    %sign3A_3 = arith.constant 0 : i32
    %sign3A_4 = arith.cmpi slt, %add3A, %sign3A_3 : i32
    %sign3A_5 = arith.extui %sign3A_4 : i1 to i32
    %sign3A_6 = arith.subi %sign3A_2, %sign3A_5 : i32
    %sign3A_7 = arith.constant 0 : i32
    %sign3A_8 = arith.cmpi sgt, %jit3A, %sign3A_7 : i32
    %sign3A_9 = arith.extui %sign3A_8 : i1 to i32
    %sign3A_10 = arith.constant 0 : i32
    %sign3A_11 = arith.cmpi slt, %jit3A, %sign3A_10 : i32
    %sign3A_12 = arith.extui %sign3A_11 : i1 to i32
    %sign3A_13 = arith.subi %sign3A_9, %sign3A_12 : i32
    %ne3A = arith.cmpi ne, %sign3A_6, %sign3A_13 : i32
    %rem3A = arith.remsi %add3A, %jit3A : i32
    %ne3A_14 = arith.constant 0 : i32
    %ne3A_15 = arith.cmpi ne, %rem3A, %ne3A_14 : i32
    %and3A = arith.andi %ne3A, %ne3A_15 : i1
    %sub3A = arith.constant 1 : i32
    %sub3A_16 = arith.subi %div3A, %sub3A : i32
    %select_n3A = arith.select %and3A, %sub3A_16, %div3A : i32
    %add3A_17 = arith.constant 6 : i32
    %add3A_18 = arith.addi %add3A_17, %select_n3A : i32
    %jit3A_19 = arith.constant 16 : i32
    %eq3A = arith.constant 0 : i32
    %eq3A_20 = arith.cmpi eq, %jit3A_19, %eq3A : i32
    %jit3A_21 = arith.constant 1 : i32
    %select_n3A_22 = arith.select %eq3A_20, %jit3A_21, %jit3A_19 : i32
    %rem3A_23 = arith.remsi %add3A, %select_n3A_22 : i32
    %ne3A_24 = arith.constant 0 : i32
    %ne3A_25 = arith.cmpi ne, %rem3A_23, %ne3A_24 : i32
    %lt3A = arith.constant 0 : i32
    %lt3A_26 = arith.cmpi slt, %rem3A_23, %lt3A : i32
    %lt3A_27 = arith.constant 0 : i32
    %lt3A_28 = arith.cmpi slt, %select_n3A_22, %lt3A_27 : i32
    %ne3A_29 = arith.xori %lt3A_26, %lt3A_28 : i1
    %and3A_30 = arith.andi %ne3A_29, %ne3A_25 : i1
    %add3A_31 = arith.addi %rem3A_23, %select_n3A_22 : i32
    %select_n3A_32 = arith.select %and3A_30, %add3A_31, %rem3A_23 : i32
    %mul3A_33 = arith.constant 16384 : i32
    %mul3A_34 = arith.muli %select_n3A_32, %mul3A_33 : i32
    %broadcast_in_dim3A = arith.constant 0.000000e+00 : f32
    %broadcast_in_dim3A_35 = vector.broadcast %broadcast_in_dim3A : f32 to vector<16xf32>
    %swap3A = arith.constant 0 : index
    %swap3A_36 = tpu.vector_load %arg10[%swap3A] {strides = array<i32>} : memref<16xf32, #tpu.memory_space<vmem>>, vector<16xf32>,
    %swap3A_37 = vector.shape_cast %swap3A_36 : vector<16xf32> to vector<16xf32>
    %swap3A_38 = vector.shape_cast %broadcast_in_dim3A_35 : vector<16xf32> to vector<16xf32>
    tpu.vector_store %arg10[%swap3A], %swap3A_38 {strides = array<i32>} : memref<16xf32, #tpu.memory_space<vmem>>, vector<16xf32>,
    %swap3A_39 = arith.constant 0 : index
    %swap3A_40 = tpu.vector_load %arg11[%swap3A_39] {strides = array<i32>} : memref<16xf32, #tpu.memory_space<vmem>>, vector<16xf32>,
    %swap3A_41 = vector.shape_cast %swap3A_40 : vector<16xf32> to vector<16xf32>
    %swap3A_42 = vector.shape_cast %broadcast_in_dim3A_35 : vector<16xf32> to vector<16xf32>
    tpu.vector_store %arg11[%swap3A_39], %swap3A_42 {strides = array<i32>} : memref<16xf32, #tpu.memory_space<vmem>>, vector<16xf32>,
    %swap3A_43 = arith.constant 0 : index
    %swap3A_44 = tpu.vector_load %arg12[%swap3A_43] {strides = array<i32>} : memref<16xf32, #tpu.memory_space<vmem>>, vector<16xf32>,
    %swap3A_45 = vector.shape_cast %swap3A_44 : vector<16xf32> to vector<16xf32>
    %swap3A_46 = vector.shape_cast %broadcast_in_dim3A_35 : vector<16xf32> to vector<16xf32>
    tpu.vector_store %arg12[%swap3A_43], %swap3A_46 {strides = array<i32>} : memref<16xf32, #tpu.memory_space<vmem>>, vector<16xf32>,
    %scan3A = arith.constant 0 : i32
    %scan3A_47 = arith.constant 0 : i32
    %scan3A_48 = arith.constant 8 : i32
    %scan3A_49 = arith.addi %scan3A_47, %scan3A_48 : i32
    %scan3A_50 = arith.constant 1 : i32
    scf.for %scan3A_76 = %scan3A_47 to %scan3A_49 step %scan3A_50  : i32 {
      %mul3A_77 = arith.constant 2048 : i32
      %mul3A_78 = arith.muli %scan3A_76, %mul3A_77 : i32
      %add3A_79 = arith.addi %mul3A_34, %mul3A_78 : i32
      "tpu.region"() ({
        %run_scoped3A = tpu.sem_alloc : memref<!tpu.dma_semaphore, #tpu.memory_space<semaphore_mem>>
        %dma_start3A = arith.constant 0 : i32
        %dma_start3A_87 = tpu.memref_slice %arg2[%add3A_18, %dma_start3A, %add3A_79] : memref<8x19x262144xf32, #tpu.memory_space<hbm>> -> memref<1x19x2048xf32, #tpu.memory_space<hbm>>
        %dma_start3A_88 = tpu.memref_squeeze %dma_start3A_87 : memref<1x19x2048xf32, #tpu.memory_space<hbm>> -> memref<19x2048xf32, #tpu.memory_space<hbm>>
        %dma_start3A_89 = arith.constant 0 : i32
        %dma_start3A_90 = tpu.memref_slice %arg2[%add3A_18, %dma_start3A_89, %add3A_79] : memref<8x19x262144xf32, #tpu.memory_space<hbm>> -> memref<1x19x2048xf32, #tpu.memory_space<hbm>>
        %dma_start3A_91 = tpu.memref_squeeze %dma_start3A_90 : memref<1x19x2048xf32, #tpu.memory_space<hbm>> -> memref<19x2048xf32, #tpu.memory_space<hbm>>
        tpu.enqueue_dma source(%dma_start3A_91 : memref<19x2048xf32, #tpu.memory_space<hbm>>) target(%arg6 : memref<19x2048xf32, #tpu.memory_space<vmem>>) target_semaphore(%run_scoped3A : memref<!tpu.dma_semaphore, #tpu.memory_space<semaphore_mem>>)
        %dma_wait3A = arith.constant 0 : i32
        %dma_wait3A_92 = tpu.memref_slice %arg2[%add3A_18, %dma_wait3A, %add3A_79] : memref<8x19x262144xf32, #tpu.memory_space<hbm>> -> memref<1x19x2048xf32, #tpu.memory_space<hbm>>
        %dma_wait3A_93 = tpu.memref_squeeze %dma_wait3A_92 : memref<1x19x2048xf32, #tpu.memory_space<hbm>> -> memref<19x2048xf32, #tpu.memory_space<hbm>>
        %dma_wait3A_94 = arith.constant 0 : i32
        %dma_wait3A_95 = tpu.memref_slice %arg2[%add3A_18, %dma_wait3A_94, %add3A_79] : memref<8x19x262144xf32, #tpu.memory_space<hbm>> -> memref<1x19x2048xf32, #tpu.memory_space<hbm>>
        %dma_wait3A_96 = tpu.memref_squeeze %dma_wait3A_95 : memref<1x19x2048xf32, #tpu.memory_space<hbm>> -> memref<19x2048xf32, #tpu.memory_space<hbm>>
        tpu.wait_dma2 semaphore(%run_scoped3A : memref<!tpu.dma_semaphore, #tpu.memory_space<semaphore_mem>>) src(%dma_wait3A_96 : memref<19x2048xf32, #tpu.memory_space<hbm>>) dst(%arg6 : memref<19x2048xf32, #tpu.memory_space<vmem>>)
        tpu.yield
      }) : () -> ()
      "tpu.region"() ({
        %run_scoped3A = tpu.sem_alloc : memref<!tpu.dma_semaphore, #tpu.memory_space<semaphore_mem>>
        %dma_start3A = tpu.memref_slice %arg3[%add3A_18, %add3A_79] : memref<8x262144xi32, #tpu.memory_space<hbm>> -> memref<1x2048xi32, #tpu.memory_space<hbm>>
        %dma_start3A_87 = tpu.memref_squeeze %dma_start3A : memref<1x2048xi32, #tpu.memory_space<hbm>> -> memref<2048xi32, #tpu.memory_space<hbm>>
        %dma_start3A_88 = tpu.memref_slice %arg3[%add3A_18, %add3A_79] : memref<8x262144xi32, #tpu.memory_space<hbm>> -> memref<1x2048xi32, #tpu.memory_space<hbm>>
        %dma_start3A_89 = tpu.memref_squeeze %dma_start3A_88 : memref<1x2048xi32, #tpu.memory_space<hbm>> -> memref<2048xi32, #tpu.memory_space<hbm>>
        tpu.enqueue_dma source(%dma_start3A_89 : memref<2048xi32, #tpu.memory_space<hbm>>) target(%arg7 : memref<2048xi32, #tpu.memory_space<vmem>>) target_semaphore(%run_scoped3A : memref<!tpu.dma_semaphore, #tpu.memory_space<semaphore_mem>>)
        %dma_wait3A = tpu.memref_slice %arg3[%add3A_18, %add3A_79] : memref<8x262144xi32, #tpu.memory_space<hbm>> -> memref<1x2048xi32, #tpu.memory_space<hbm>>
        %dma_wait3A_90 = tpu.memref_squeeze %dma_wait3A : memref<1x2048xi32, #tpu.memory_space<hbm>> -> memref<2048xi32, #tpu.memory_space<hbm>>
        %dma_wait3A_91 = tpu.memref_slice %arg3[%add3A_18, %add3A_79] : memref<8x262144xi32, #tpu.memory_space<hbm>> -> memref<1x2048xi32, #tpu.memory_space<hbm>>
        %dma_wait3A_92 = tpu.memref_squeeze %dma_wait3A_91 : memref<1x2048xi32, #tpu.memory_space<hbm>> -> memref<2048xi32, #tpu.memory_space<hbm>>
        tpu.wait_dma2 semaphore(%run_scoped3A : memref<!tpu.dma_semaphore, #tpu.memory_space<semaphore_mem>>) src(%dma_wait3A_92 : memref<2048xi32, #tpu.memory_space<hbm>>) dst(%arg7 : memref<2048xi32, #tpu.memory_space<vmem>>)
        tpu.yield
      }) : () -> ()
      %scan3A_80 = arith.constant 0 : i32
      %scan3A_81 = arith.constant 64 : i32
      %scan3A_82 = arith.addi %scan3A_80, %scan3A_81 : i32
      %scan3A_83 = arith.constant 1 : i32
      scf.for %scan3A_87 = %scan3A_80 to %scan3A_82 step %scan3A_83  : i32 {
        %get3A_88 = arith.constant 0 : index
        %get3A_89 = tpu.vector_load %arg10[%get3A_88] {strides = array<i32>} : memref<16xf32, #tpu.memory_space<vmem>>, vector<16xf32>,
        %get3A_90 = vector.shape_cast %get3A_89 : vector<16xf32> to vector<16xf32>
        %get3A_91 = arith.constant 0 : index
        %get3A_92 = tpu.vector_load %arg11[%get3A_91] {strides = array<i32>} : memref<16xf32, #tpu.memory_space<vmem>>, vector<16xf32>,
        %get3A_93 = vector.shape_cast %get3A_92 : vector<16xf32> to vector<16xf32>
        %get3A_94 = arith.constant 0 : index
        %get3A_95 = tpu.vector_load %arg12[%get3A_94] {strides = array<i32>} : memref<16xf32, #tpu.memory_space<vmem>>, vector<16xf32>,
        %get3A_96 = vector.shape_cast %get3A_95 : vector<16xf32> to vector<16xf32>
        %mul3A_97 = arith.constant 32 : i32
        %mul3A_98 = arith.muli %scan3A_87, %mul3A_97 : i32
        %add3A_99 = arith.constant 0 : i32
        %add3A_100 = arith.addi %mul3A_98, %add3A_99 : i32
        %get3A_101 = arith.index_cast %add3A_100 : i32 to index
        %get3A_102 = tpu.vector_load %arg7[%get3A_101] {strides = array<i32>} : memref<2048xi32, #tpu.memory_space<vmem>>, vector<16xi32>,
        %get3A_103 = vector.shape_cast %get3A_102 : vector<16xi32> to vector<16xi32>
        %get3A_104 = arith.constant 0 : i32
        %get3A_105 = arith.index_cast %get3A_104 : i32 to index
        %get3A_106 = arith.index_cast %add3A_100 : i32 to index
        %get3A_107 = tpu.vector_load %arg6[%get3A_105, %get3A_106] {strides = array<i32>} : memref<19x2048xf32, #tpu.memory_space<vmem>>, vector<1x16xf32>,
        %get3A_108 = vector.shape_cast %get3A_107 : vector<1x16xf32> to vector<16xf32>
        %get3A_109 = arith.constant 1 : i32
        %get3A_110 = arith.index_cast %get3A_109 : i32 to index
        %get3A_111 = arith.index_cast %add3A_100 : i32 to index
        %get3A_112 = tpu.vector_load %arg6[%get3A_110, %get3A_111] {strides = array<i32>} : memref<19x2048xf32, #tpu.memory_space<vmem>>, vector<1x16xf32>,
        %get3A_113 = vector.shape_cast %get3A_112 : vector<1x16xf32> to vector<16xf32>
        %get3A_114 = arith.constant 2 : i32
        %get3A_115 = arith.index_cast %get3A_114 : i32 to index
        %get3A_116 = arith.index_cast %add3A_100 : i32 to index
        %get3A_117 = tpu.vector_load %arg6[%get3A_115, %get3A_116] {strides = array<i32>} : memref<19x2048xf32, #tpu.memory_space<vmem>>, vector<1x16xf32>,
        %get3A_118 = vector.shape_cast %get3A_117 : vector<1x16xf32> to vector<16xf32>
        %get3A_119 = arith.constant 3 : i32
        %get3A_120 = arith.index_cast %get3A_119 : i32 to index
        %get3A_121 = arith.index_cast %add3A_100 : i32 to index
        %get3A_122 = tpu.vector_load %arg6[%get3A_120, %get3A_121] {strides = array<i32>} : memref<19x2048xf32, #tpu.memory_space<vmem>>, vector<1x16xf32>,
        %get3A_123 = vector.shape_cast %get3A_122 : vector<1x16xf32> to vector<16xf32>
        %get3A_124 = arith.constant 4 : i32
        %get3A_125 = arith.index_cast %get3A_124 : i32 to index
        %get3A_126 = arith.index_cast %add3A_100 : i32 to index
        %get3A_127 = tpu.vector_load %arg6[%get3A_125, %get3A_126] {strides = array<i32>} : memref<19x2048xf32, #tpu.memory_space<vmem>>, vector<1x16xf32>,
        %get3A_128 = vector.shape_cast %get3A_127 : vector<1x16xf32> to vector<16xf32>
        %get3A_129 = arith.constant 5 : i32
        %get3A_130 = arith.index_cast %get3A_129 : i32 to index
        %get3A_131 = arith.index_cast %add3A_100 : i32 to index
        %get3A_132 = tpu.vector_load %arg6[%get3A_130, %get3A_131] {strides = array<i32>} : memref<19x2048xf32, #tpu.memory_space<vmem>>, vector<1x16xf32>,
        %get3A_133 = vector.shape_cast %get3A_132 : vector<1x16xf32> to vector<16xf32>
        %get3A_134 = arith.constant 6 : i32
        %get3A_135 = arith.index_cast %get3A_134 : i32 to index
        %get3A_136 = arith.index_cast %add3A_100 : i32 to index
        %get3A_137 = tpu.vector_load %arg6[%get3A_135, %get3A_136] {strides = array<i32>} : memref<19x2048xf32, #tpu.memory_space<vmem>>, vector<1x16xf32>,
        %get3A_138 = vector.shape_cast %get3A_137 : vector<1x16xf32> to vector<16xf32>
        %get3A_139 = arith.constant 7 : i32
        %get3A_140 = arith.index_cast %get3A_139 : i32 to index
        %get3A_141 = arith.index_cast %add3A_100 : i32 to index
        %get3A_142 = tpu.vector_load %arg6[%get3A_140, %get3A_141] {strides = array<i32>} : memref<19x2048xf32, #tpu.memory_space<vmem>>, vector<1x16xf32>,
        %get3A_143 = vector.shape_cast %get3A_142 : vector<1x16xf32> to vector<16xf32>
        %get3A_144 = arith.constant 8 : i32
        %get3A_145 = arith.index_cast %get3A_144 : i32 to index
        %get3A_146 = arith.index_cast %add3A_100 : i32 to index
        %get3A_147 = tpu.vector_load %arg6[%get3A_145, %get3A_146] {strides = array<i32>} : memref<19x2048xf32, #tpu.memory_space<vmem>>, vector<1x16xf32>,
        %get3A_148 = vector.shape_cast %get3A_147 : vector<1x16xf32> to vector<16xf32>
        %get3A_149 = arith.constant 9 : i32
        %get3A_150 = arith.index_cast %get3A_149 : i32 to index
        %get3A_151 = arith.index_cast %add3A_100 : i32 to index
        %get3A_152 = tpu.vector_load %arg6[%get3A_150, %get3A_151] {strides = array<i32>} : memref<19x2048xf32, #tpu.memory_space<vmem>>, vector<1x16xf32>,
        %get3A_153 = vector.shape_cast %get3A_152 : vector<1x16xf32> to vector<16xf32>
        %get3A_154 = arith.constant 10 : i32
        %get3A_155 = arith.index_cast %get3A_154 : i32 to index
        %get3A_156 = arith.index_cast %add3A_100 : i32 to index
        %get3A_157 = tpu.vector_load %arg6[%get3A_155, %get3A_156] {strides = array<i32>} : memref<19x2048xf32, #tpu.memory_space<vmem>>, vector<1x16xf32>,
        %get3A_158 = vector.shape_cast %get3A_157 : vector<1x16xf32> to vector<16xf32>
        %get3A_159 = arith.constant 11 : i32
        %get3A_160 = arith.index_cast %get3A_159 : i32 to index
        %get3A_161 = arith.index_cast %add3A_100 : i32 to index
        %get3A_162 = tpu.vector_load %arg6[%get3A_160, %get3A_161] {strides = array<i32>} : memref<19x2048xf32, #tpu.memory_space<vmem>>, vector<1x16xf32>,
        %get3A_163 = vector.shape_cast %get3A_162 : vector<1x16xf32> to vector<16xf32>
        %get3A_164 = arith.constant 12 : i32
        %get3A_165 = arith.index_cast %get3A_164 : i32 to index
        %get3A_166 = arith.index_cast %add3A_100 : i32 to index
        %get3A_167 = tpu.vector_load %arg6[%get3A_165, %get3A_166] {strides = array<i32>} : memref<19x2048xf32, #tpu.memory_space<vmem>>, vector<1x16xf32>,
        %get3A_168 = vector.shape_cast %get3A_167 : vector<1x16xf32> to vector<16xf32>
        %get3A_169 = arith.constant 13 : i32
        %get3A_170 = arith.index_cast %get3A_169 : i32 to index
        %get3A_171 = arith.index_cast %add3A_100 : i32 to index
        %get3A_172 = tpu.vector_load %arg6[%get3A_170, %get3A_171] {strides = array<i32>} : memref<19x2048xf32, #tpu.memory_space<vmem>>, vector<1x16xf32>,
        %get3A_173 = vector.shape_cast %get3A_172 : vector<1x16xf32> to vector<16xf32>
        %get3A_174 = arith.constant 14 : i32
        %get3A_175 = arith.index_cast %get3A_174 : i32 to index
        %get3A_176 = arith.index_cast %add3A_100 : i32 to index
        %get3A_177 = tpu.vector_load %arg6[%get3A_175, %get3A_176] {strides = array<i32>} : memref<19x2048xf32, #tpu.memory_space<vmem>>, vector<1x16xf32>,
        %get3A_178 = vector.shape_cast %get3A_177 : vector<1x16xf32> to vector<16xf32>
        %get3A_179 = arith.constant 15 : i32
        %get3A_180 = arith.index_cast %get3A_179 : i32 to index
        %get3A_181 = arith.index_cast %add3A_100 : i32 to index
        %get3A_182 = tpu.vector_load %arg6[%get3A_180, %get3A_181] {strides = array<i32>} : memref<19x2048xf32, #tpu.memory_space<vmem>>, vector<1x16xf32>,
        %get3A_183 = vector.shape_cast %get3A_182 : vector<1x16xf32> to vector<16xf32>
        %get3A_184 = arith.constant 16 : i32
        %get3A_185 = arith.index_cast %get3A_184 : i32 to index
        %get3A_186 = arith.index_cast %add3A_100 : i32 to index
        %get3A_187 = tpu.vector_load %arg6[%get3A_185, %get3A_186] {strides = array<i32>} : memref<19x2048xf32, #tpu.memory_space<vmem>>, vector<1x16xf32>,
        %get3A_188 = vector.shape_cast %get3A_187 : vector<1x16xf32> to vector<16xf32>
        %get3A_189 = arith.constant 17 : i32
        %get3A_190 = arith.index_cast %get3A_189 : i32 to index
        %get3A_191 = arith.index_cast %add3A_100 : i32 to index
        %get3A_192 = tpu.vector_load %arg6[%get3A_190, %get3A_191] {strides = array<i32>} : memref<19x2048xf32, #tpu.memory_space<vmem>>, vector<1x16xf32>,
        %get3A_193 = vector.shape_cast %get3A_192 : vector<1x16xf32> to vector<16xf32>
        %get3A_194 = arith.constant 18 : i32
        %get3A_195 = arith.index_cast %get3A_194 : i32 to index
        %get3A_196 = arith.index_cast %add3A_100 : i32 to index
        %get3A_197 = tpu.vector_load %arg6[%get3A_195, %get3A_196] {strides = array<i32>} : memref<19x2048xf32, #tpu.memory_space<vmem>>, vector<1x16xf32>,
        %get3A_198 = vector.shape_cast %get3A_197 : vector<1x16xf32> to vector<16xf32>
        %broadcast_in_dim3A_199 = arith.constant 0.000000e+00 : f32
        %broadcast_in_dim3A_200 = vector.broadcast %broadcast_in_dim3A_199 : f32 to vector<16xf32>
        %add3A_201 = arith.constant 1.000000e+00 : f32
        %add3A_202 = vector.broadcast %add3A_201 : f32 to vector<16xf32>
        %add3A_203 = arith.addf %broadcast_in_dim3A_200, %add3A_202 : vector<16xf32>
        %exp3A = math.exp %get3A_108 : vector<16xf32>
        %exp3A_204 = math.exp %get3A_113 : vector<16xf32>
        %exp3A_205 = math.exp %get3A_118 : vector<16xf32>
        %exp3A_206 = math.exp %get3A_123 : vector<16xf32>
        %exp3A_207 = math.exp %get3A_128 : vector<16xf32>
        %exp3A_208 = math.exp %get3A_133 : vector<16xf32>
        %exp3A_209 = math.exp %get3A_138 : vector<16xf32>
        %exp3A_210 = math.exp %get3A_143 : vector<16xf32>
        %exp3A_211 = math.exp %get3A_148 : vector<16xf32>
        %exp3A_212 = math.exp %get3A_153 : vector<16xf32>
        %exp3A_213 = math.exp %get3A_158 : vector<16xf32>
        %exp3A_214 = math.exp %get3A_163 : vector<16xf32>
        %exp3A_215 = math.exp %get3A_168 : vector<16xf32>
        %exp3A_216 = math.exp %get3A_173 : vector<16xf32>
        %exp3A_217 = math.exp %get3A_178 : vector<16xf32>
        %exp3A_218 = math.exp %get3A_183 : vector<16xf32>
        %exp3A_219 = math.exp %get3A_188 : vector<16xf32>
        %exp3A_220 = math.exp %get3A_193 : vector<16xf32>
        %exp3A_221 = math.exp %get3A_198 : vector<16xf32>
        %add3A_222 = arith.addf %exp3A, %exp3A_204 : vector<16xf32>
        %add3A_223 = arith.addf %exp3A_205, %exp3A_206 : vector<16xf32>
        %add3A_224 = arith.addf %exp3A_207, %exp3A_208 : vector<16xf32>
        %add3A_225 = arith.addf %exp3A_209, %exp3A_210 : vector<16xf32>
        %add3A_226 = arith.addf %exp3A_211, %exp3A_212 : vector<16xf32>
        %add3A_227 = arith.addf %exp3A_213, %exp3A_214 : vector<16xf32>
        %add3A_228 = arith.addf %exp3A_215, %exp3A_216 : vector<16xf32>
        %add3A_229 = arith.addf %exp3A_217, %exp3A_218 : vector<16xf32>
        %add3A_230 = arith.addf %exp3A_219, %exp3A_220 : vector<16xf32>
        %add3A_231 = arith.addf %add3A_222, %add3A_223 : vector<16xf32>
        %add3A_232 = arith.addf %add3A_224, %add3A_225 : vector<16xf32>
        %add3A_233 = arith.addf %add3A_226, %add3A_227 : vector<16xf32>
        %add3A_234 = arith.addf %add3A_228, %add3A_229 : vector<16xf32>
        %add3A_235 = arith.addf %add3A_230, %exp3A_221 : vector<16xf32>
        %add3A_236 = arith.addf %add3A_231, %add3A_232 : vector<16xf32>
        %add3A_237 = arith.addf %add3A_233, %add3A_234 : vector<16xf32>
        %add3A_238 = arith.addf %add3A_236, %add3A_237 : vector<16xf32>
        %add3A_239 = arith.addf %add3A_238, %add3A_235 : vector<16xf32>
        %eq3A_240 = arith.constant 0 : i32
        %eq3A_241 = vector.broadcast %eq3A_240 : i32 to vector<16xi32>
        %eq3A_242 = arith.cmpi eq, %get3A_103, %eq3A_241 : vector<16xi32>
        %select_n3A_243 = arith.select %eq3A_242, %get3A_108, %broadcast_in_dim3A_200 : vector<16xi1>, vector<16xf32>
        %eq3A_244 = arith.constant 1 : i32
        %eq3A_245 = vector.broadcast %eq3A_244 : i32 to vector<16xi32>
        %eq3A_246 = arith.cmpi eq, %get3A_103, %eq3A_245 : vector<16xi32>
        %select_n3A_247 = arith.select %eq3A_246, %get3A_113, %broadcast_in_dim3A_200 : vector<16xi1>, vector<16xf32>
        %eq3A_248 = arith.constant 2 : i32
        %eq3A_249 = vector.broadcast %eq3A_248 : i32 to vector<16xi32>
        %eq3A_250 = arith.cmpi eq, %get3A_103, %eq3A_249 : vector<16xi32>
        %select_n3A_251 = arith.select %eq3A_250, %get3A_118, %broadcast_in_dim3A_200 : vector<16xi1>, vector<16xf32>
        %eq3A_252 = arith.constant 3 : i32
        %eq3A_253 = vector.broadcast %eq3A_252 : i32 to vector<16xi32>
        %eq3A_254 = arith.cmpi eq, %get3A_103, %eq3A_253 : vector<16xi32>
        %select_n3A_255 = arith.select %eq3A_254, %get3A_123, %broadcast_in_dim3A_200 : vector<16xi1>, vector<16xf32>
        %eq3A_256 = arith.constant 4 : i32
        %eq3A_257 = vector.broadcast %eq3A_256 : i32 to vector<16xi32>
        %eq3A_258 = arith.cmpi eq, %get3A_103, %eq3A_257 : vector<16xi32>
        %select_n3A_259 = arith.select %eq3A_258, %get3A_128, %broadcast_in_dim3A_200 : vector<16xi1>, vector<16xf32>
        %eq3A_260 = arith.constant 5 : i32
        %eq3A_261 = vector.broadcast %eq3A_260 : i32 to vector<16xi32>
        %eq3A_262 = arith.cmpi eq, %get3A_103, %eq3A_261 : vector<16xi32>
        %select_n3A_263 = arith.select %eq3A_262, %get3A_133, %broadcast_in_dim3A_200 : vector<16xi1>, vector<16xf32>
        %eq3A_264 = arith.constant 6 : i32
        %eq3A_265 = vector.broadcast %eq3A_264 : i32 to vector<16xi32>
        %eq3A_266 = arith.cmpi eq, %get3A_103, %eq3A_265 : vector<16xi32>
        %select_n3A_267 = arith.select %eq3A_266, %get3A_138, %broadcast_in_dim3A_200 : vector<16xi1>, vector<16xf32>
        %eq3A_268 = arith.constant 7 : i32
        %eq3A_269 = vector.broadcast %eq3A_268 : i32 to vector<16xi32>
        %eq3A_270 = arith.cmpi eq, %get3A_103, %eq3A_269 : vector<16xi32>
        %select_n3A_271 = arith.select %eq3A_270, %get3A_143, %broadcast_in_dim3A_200 : vector<16xi1>, vector<16xf32>
        %eq3A_272 = arith.constant 8 : i32
        %eq3A_273 = vector.broadcast %eq3A_272 : i32 to vector<16xi32>
        %eq3A_274 = arith.cmpi eq, %get3A_103, %eq3A_273 : vector<16xi32>
        %select_n3A_275 = arith.select %eq3A_274, %get3A_148, %broadcast_in_dim3A_200 : vector<16xi1>, vector<16xf32>
        %eq3A_276 = arith.constant 9 : i32
        %eq3A_277 = vector.broadcast %eq3A_276 : i32 to vector<16xi32>
        %eq3A_278 = arith.cmpi eq, %get3A_103, %eq3A_277 : vector<16xi32>
        %select_n3A_279 = arith.select %eq3A_278, %get3A_153, %broadcast_in_dim3A_200 : vector<16xi1>, vector<16xf32>
        %eq3A_280 = arith.constant 10 : i32
        %eq3A_281 = vector.broadcast %eq3A_280 : i32 to vector<16xi32>
        %eq3A_282 = arith.cmpi eq, %get3A_103, %eq3A_281 : vector<16xi32>
        %select_n3A_283 = arith.select %eq3A_282, %get3A_158, %broadcast_in_dim3A_200 : vector<16xi1>, vector<16xf32>
        %eq3A_284 = arith.constant 11 : i32
        %eq3A_285 = vector.broadcast %eq3A_284 : i32 to vector<16xi32>
        %eq3A_286 = arith.cmpi eq, %get3A_103, %eq3A_285 : vector<16xi32>
        %select_n3A_287 = arith.select %eq3A_286, %get3A_163, %broadcast_in_dim3A_200 : vector<16xi1>, vector<16xf32>
        %eq3A_288 = arith.constant 12 : i32
        %eq3A_289 = vector.broadcast %eq3A_288 : i32 to vector<16xi32>
        %eq3A_290 = arith.cmpi eq, %get3A_103, %eq3A_289 : vector<16xi32>
        %select_n3A_291 = arith.select %eq3A_290, %get3A_168, %broadcast_in_dim3A_200 : vector<16xi1>, vector<16xf32>
        %eq3A_292 = arith.constant 13 : i32
        %eq3A_293 = vector.broadcast %eq3A_292 : i32 to vector<16xi32>
        %eq3A_294 = arith.cmpi eq, %get3A_103, %eq3A_293 : vector<16xi32>
        %select_n3A_295 = arith.select %eq3A_294, %get3A_173, %broadcast_in_dim3A_200 : vector<16xi1>, vector<16xf32>
        %eq3A_296 = arith.constant 14 : i32
        %eq3A_297 = vector.broadcast %eq3A_296 : i32 to vector<16xi32>
        %eq3A_298 = arith.cmpi eq, %get3A_103, %eq3A_297 : vector<16xi32>
        %select_n3A_299 = arith.select %eq3A_298, %get3A_178, %broadcast_in_dim3A_200 : vector<16xi1>, vector<16xf32>
        %eq3A_300 = arith.constant 15 : i32
        %eq3A_301 = vector.broadcast %eq3A_300 : i32 to vector<16xi32>
        %eq3A_302 = arith.cmpi eq, %get3A_103, %eq3A_301 : vector<16xi32>
        %select_n3A_303 = arith.select %eq3A_302, %get3A_183, %broadcast_in_dim3A_200 : vector<16xi1>, vector<16xf32>
        %eq3A_304 = arith.constant 16 : i32
        %eq3A_305 = vector.broadcast %eq3A_304 : i32 to vector<16xi32>
        %eq3A_306 = arith.cmpi eq, %get3A_103, %eq3A_305 : vector<16xi32>
        %select_n3A_307 = arith.select %eq3A_306, %get3A_188, %broadcast_in_dim3A_200 : vector<16xi1>, vector<16xf32>
        %eq3A_308 = arith.constant 17 : i32
        %eq3A_309 = vector.broadcast %eq3A_308 : i32 to vector<16xi32>
        %eq3A_310 = arith.cmpi eq, %get3A_103, %eq3A_309 : vector<16xi32>
        %select_n3A_311 = arith.select %eq3A_310, %get3A_193, %broadcast_in_dim3A_200 : vector<16xi1>, vector<16xf32>
        %eq3A_312 = arith.constant 18 : i32
        %eq3A_313 = vector.broadcast %eq3A_312 : i32 to vector<16xi32>
        %eq3A_314 = arith.cmpi eq, %get3A_103, %eq3A_313 : vector<16xi32>
        %select_n3A_315 = arith.select %eq3A_314, %get3A_198, %broadcast_in_dim3A_200 : vector<16xi1>, vector<16xf32>
        %add3A_316 = arith.addf %select_n3A_243, %select_n3A_247 : vector<16xf32>
        %add3A_317 = arith.addf %select_n3A_251, %select_n3A_255 : vector<16xf32>
        %add3A_318 = arith.addf %select_n3A_259, %select_n3A_263 : vector<16xf32>
        %add3A_319 = arith.addf %select_n3A_267, %select_n3A_271 : vector<16xf32>
        %add3A_320 = arith.addf %select_n3A_275, %select_n3A_279 : vector<16xf32>
        %add3A_321 = arith.addf %select_n3A_283, %select_n3A_287 : vector<16xf32>
        %add3A_322 = arith.addf %select_n3A_291, %select_n3A_295 : vector<16xf32>
        %add3A_323 = arith.addf %select_n3A_299, %select_n3A_303 : vector<16xf32>
        %add3A_324 = arith.addf %select_n3A_307, %select_n3A_311 : vector<16xf32>
        %add3A_325 = arith.addf %add3A_316, %add3A_317 : vector<16xf32>
        %add3A_326 = arith.addf %add3A_318, %add3A_319 : vector<16xf32>
        %add3A_327 = arith.addf %add3A_320, %add3A_321 : vector<16xf32>
        %add3A_328 = arith.addf %add3A_322, %add3A_323 : vector<16xf32>
        %add3A_329 = arith.addf %add3A_324, %select_n3A_315 : vector<16xf32>
        %add3A_330 = arith.addf %add3A_325, %add3A_326 : vector<16xf32>
        %add3A_331 = arith.addf %add3A_327, %add3A_328 : vector<16xf32>
        %add3A_332 = arith.addf %add3A_330, %add3A_331 : vector<16xf32>
        %add3A_333 = arith.addf %add3A_332, %add3A_329 : vector<16xf32>
        %ne3A_334 = arith.constant 255 : i32
        %ne3A_335 = vector.broadcast %ne3A_334 : i32 to vector<16xi32>
        %ne3A_336 = arith.cmpi ne, %get3A_103, %ne3A_335 : vector<16xi32>
        %bitcast_convert_type3A = tpu.bitcast %add3A_239 : vector<16xf32> -> vector<16xi32>
        %shift_right_arithmetic3A = arith.constant 23 : i32
        %shift_right_arithmetic3A_337 = vector.broadcast %shift_right_arithmetic3A : i32 to vector<16xi32>
        %shift_right_arithmetic3A_338 = arith.shrsi %bitcast_convert_type3A, %shift_right_arithmetic3A_337 : vector<16xi32>
        %and3A_339 = arith.constant 255 : i32
        %and3A_340 = vector.broadcast %and3A_339 : i32 to vector<16xi32>
        %and3A_341 = arith.andi %shift_right_arithmetic3A_338, %and3A_340 : vector<16xi32>
        %sub3A_342 = arith.constant 127 : i32
        %sub3A_343 = vector.broadcast %sub3A_342 : i32 to vector<16xi32>
        %sub3A_344 = arith.subi %and3A_341, %sub3A_343 : vector<16xi32>
        %and3A_345 = arith.constant 8388607 : i32
        %and3A_346 = vector.broadcast %and3A_345 : i32 to vector<16xi32>
        %and3A_347 = arith.andi %bitcast_convert_type3A, %and3A_346 : vector<16xi32>
        %or3A = arith.constant 1065353216 : i32
        %or3A_348 = vector.broadcast %or3A : i32 to vector<16xi32>
        %or3A_349 = arith.ori %and3A_347, %or3A_348 : vector<16xi32>
        %bitcast_convert_type3A_350 = tpu.bitcast %or3A_349 : vector<16xi32> -> vector<16xf32>
        %gt3A = arith.constant 1.41421354 : f32
        %gt3A_351 = vector.broadcast %gt3A : f32 to vector<16xf32>
        %gt3A_352 = arith.cmpf ogt, %bitcast_convert_type3A_350, %gt3A_351 : vector<16xf32>
        %mul3A_353 = arith.constant 5.000000e-01 : f32
        %mul3A_354 = vector.broadcast %mul3A_353 : f32 to vector<16xf32>
        %mul3A_355 = arith.mulf %bitcast_convert_type3A_350, %mul3A_354 : vector<16xf32>
        %select_n3A_356 = arith.select %gt3A_352, %mul3A_355, %bitcast_convert_type3A_350 : vector<16xi1>, vector<16xf32>
        %add3A_357 = arith.constant 1 : i32
        %add3A_358 = vector.broadcast %add3A_357 : i32 to vector<16xi32>
        %add3A_359 = arith.addi %sub3A_344, %add3A_358 : vector<16xi32>
        %select_n3A_360 = arith.select %gt3A_352, %add3A_359, %sub3A_344 : vector<16xi1>, vector<16xi32>
        %convert_element_type3A = arith.sitofp %select_n3A_360 : vector<16xi32> to vector<16xf32>
        %sub3A_361 = arith.constant 1.000000e+00 : f32
        %sub3A_362 = vector.broadcast %sub3A_361 : f32 to vector<16xf32>
        %sub3A_363 = arith.subf %select_n3A_356, %sub3A_362 : vector<16xf32>
        %add3A_364 = arith.constant 1.000000e+00 : f32
        %add3A_365 = vector.broadcast %add3A_364 : f32 to vector<16xf32>
        %add3A_366 = arith.addf %select_n3A_356, %add3A_365 : vector<16xf32>
        %div3A_367 = arith.divf %sub3A_363, %add3A_366 : vector<16xf32>
        %mul3A_368 = arith.mulf %div3A_367, %div3A_367 : vector<16xf32>
        %mul3A_369 = arith.constant 0.111111112 : f32
        %mul3A_370 = vector.broadcast %mul3A_369 : f32 to vector<16xf32>
        %mul3A_371 = arith.mulf %mul3A_370, %mul3A_368 : vector<16xf32>
        %add3A_372 = arith.constant 0.142857149 : f32
        %add3A_373 = vector.broadcast %add3A_372 : f32 to vector<16xf32>
        %add3A_374 = arith.addf %mul3A_371, %add3A_373 : vector<16xf32>
        %mul3A_375 = arith.mulf %add3A_374, %mul3A_368 : vector<16xf32>
        %add3A_376 = arith.constant 2.000000e-01 : f32
        %add3A_377 = vector.broadcast %add3A_376 : f32 to vector<16xf32>
        %add3A_378 = arith.addf %mul3A_375, %add3A_377 : vector<16xf32>
        %mul3A_379 = arith.mulf %add3A_378, %mul3A_368 : vector<16xf32>
        %add3A_380 = arith.constant 0.333333343 : f32
        %add3A_381 = vector.broadcast %add3A_380 : f32 to vector<16xf32>
        %add3A_382 = arith.addf %mul3A_379, %add3A_381 : vector<16xf32>
        %mul3A_383 = arith.mulf %add3A_382, %mul3A_368 : vector<16xf32>
        %add3A_384 = arith.constant 1.000000e+00 : f32
        %add3A_385 = vector.broadcast %add3A_384 : f32 to vector<16xf32>
        %add3A_386 = arith.addf %mul3A_383, %add3A_385 : vector<16xf32>
        %mul3A_387 = arith.constant 0.693147182 : f32
        %mul3A_388 = vector.broadcast %mul3A_387 : f32 to vector<16xf32>
        %mul3A_389 = arith.mulf %convert_element_type3A, %mul3A_388 : vector<16xf32>
        %mul3A_390 = arith.constant 2.000000e+00 : f32
        %mul3A_391 = vector.broadcast %mul3A_390 : f32 to vector<16xf32>
        %mul3A_392 = arith.mulf %mul3A_391, %div3A_367 : vector<16xf32>
        %mul3A_393 = arith.mulf %mul3A_392, %add3A_386 : vector<16xf32>
        %add3A_394 = arith.addf %mul3A_389, %mul3A_393 : vector<16xf32>
        %sub3A_395 = arith.subf %add3A_394, %add3A_333 : vector<16xf32>
        %select_n3A_396 = arith.select %ne3A_336, %sub3A_395, %broadcast_in_dim3A_200 : vector<16xi1>, vector<16xf32>
        %swap3A_397 = arith.index_cast %add3A_100 : i32 to index
        %swap3A_398 = tpu.vector_load %arg8[%swap3A_397] {strides = array<i32>} : memref<2048xf32, #tpu.memory_space<vmem>>, vector<16xf32>,
        %swap3A_399 = vector.shape_cast %swap3A_398 : vector<16xf32> to vector<16xf32>
        %swap3A_400 = vector.shape_cast %select_n3A_396 : vector<16xf32> to vector<16xf32>
        tpu.vector_store %arg8[%swap3A_397], %swap3A_400 {strides = array<i32>} : memref<2048xf32, #tpu.memory_space<vmem>>, vector<16xf32>,
        %gt3A_401 = arith.constant 0.356674939 : f32
        %gt3A_402 = vector.broadcast %gt3A_401 : f32 to vector<16xf32>
        %gt3A_403 = arith.cmpf ogt, %select_n3A_396, %gt3A_402 : vector<16xf32>
        %select_n3A_404 = arith.select %gt3A_403, %add3A_203, %broadcast_in_dim3A_200 : vector<16xi1>, vector<16xf32>
        %add3A_405 = arith.addf %get3A_90, %select_n3A_404 : vector<16xf32>
        %select_n3A_406 = arith.select %gt3A_403, %select_n3A_396, %broadcast_in_dim3A_200 : vector<16xi1>, vector<16xf32>
        %add3A_407 = arith.addf %get3A_93, %select_n3A_406 : vector<16xf32>
        %select_n3A_408 = arith.select %ne3A_336, %add3A_203, %broadcast_in_dim3A_200 : vector<16xi1>, vector<16xf32>
        %add3A_409 = arith.addf %get3A_96, %select_n3A_408 : vector<16xf32>
        %mul3A_410 = arith.constant 32 : i32
        %mul3A_411 = arith.muli %scan3A_87, %mul3A_410 : i32
        %add3A_412 = arith.constant 16 : i32
        %add3A_413 = arith.addi %mul3A_411, %add3A_412 : i32
        %get3A_414 = arith.index_cast %add3A_413 : i32 to index
        %get3A_415 = tpu.vector_load %arg7[%get3A_414] {strides = array<i32>} : memref<2048xi32, #tpu.memory_space<vmem>>, vector<16xi32>,
        %get3A_416 = vector.shape_cast %get3A_415 : vector<16xi32> to vector<16xi32>
        %get3A_417 = arith.constant 0 : i32
        %get3A_418 = arith.index_cast %get3A_417 : i32 to index
        %get3A_419 = arith.index_cast %add3A_413 : i32 to index
        %get3A_420 = tpu.vector_load %arg6[%get3A_418, %get3A_419] {strides = array<i32>} : memref<19x2048xf32, #tpu.memory_space<vmem>>, vector<1x16xf32>,
        %get3A_421 = vector.shape_cast %get3A_420 : vector<1x16xf32> to vector<16xf32>
        %get3A_422 = arith.constant 1 : i32
        %get3A_423 = arith.index_cast %get3A_422 : i32 to index
        %get3A_424 = arith.index_cast %add3A_413 : i32 to index
        %get3A_425 = tpu.vector_load %arg6[%get3A_423, %get3A_424] {strides = array<i32>} : memref<19x2048xf32, #tpu.memory_space<vmem>>, vector<1x16xf32>,
        %get3A_426 = vector.shape_cast %get3A_425 : vector<1x16xf32> to vector<16xf32>
        %get3A_427 = arith.constant 2 : i32
        %get3A_428 = arith.index_cast %get3A_427 : i32 to index
        %get3A_429 = arith.index_cast %add3A_413 : i32 to index
        %get3A_430 = tpu.vector_load %arg6[%get3A_428, %get3A_429] {strides = array<i32>} : memref<19x2048xf32, #tpu.memory_space<vmem>>, vector<1x16xf32>,
        %get3A_431 = vector.shape_cast %get3A_430 : vector<1x16xf32> to vector<16xf32>
        %get3A_432 = arith.constant 3 : i32
        %get3A_433 = arith.index_cast %get3A_432 : i32 to index
        %get3A_434 = arith.index_cast %add3A_413 : i32 to index
        %get3A_435 = tpu.vector_load %arg6[%get3A_433, %get3A_434] {strides = array<i32>} : memref<19x2048xf32, #tpu.memory_space<vmem>>, vector<1x16xf32>,
        %get3A_436 = vector.shape_cast %get3A_435 : vector<1x16xf32> to vector<16xf32>
        %get3A_437 = arith.constant 4 : i32
        %get3A_438 = arith.index_cast %get3A_437 : i32 to index
        %get3A_439 = arith.index_cast %add3A_413 : i32 to index
        %get3A_440 = tpu.vector_load %arg6[%get3A_438, %get3A_439] {strides = array<i32>} : memref<19x2048xf32, #tpu.memory_space<vmem>>, vector<1x16xf32>,
        %get3A_441 = vector.shape_cast %get3A_440 : vector<1x16xf32> to vector<16xf32>
        %get3A_442 = arith.constant 5 : i32
        %get3A_443 = arith.index_cast %get3A_442 : i32 to index
        %get3A_444 = arith.index_cast %add3A_413 : i32 to index
        %get3A_445 = tpu.vector_load %arg6[%get3A_443, %get3A_444] {strides = array<i32>} : memref<19x2048xf32, #tpu.memory_space<vmem>>, vector<1x16xf32>,
        %get3A_446 = vector.shape_cast %get3A_445 : vector<1x16xf32> to vector<16xf32>
        %get3A_447 = arith.constant 6 : i32
        %get3A_448 = arith.index_cast %get3A_447 : i32 to index
        %get3A_449 = arith.index_cast %add3A_413 : i32 to index
        %get3A_450 = tpu.vector_load %arg6[%get3A_448, %get3A_449] {strides = array<i32>} : memref<19x2048xf32, #tpu.memory_space<vmem>>, vector<1x16xf32>,
        %get3A_451 = vector.shape_cast %get3A_450 : vector<1x16xf32> to vector<16xf32>
        %get3A_452 = arith.constant 7 : i32
        %get3A_453 = arith.index_cast %get3A_452 : i32 to index
        %get3A_454 = arith.index_cast %add3A_413 : i32 to index
        %get3A_455 = tpu.vector_load %arg6[%get3A_453, %get3A_454] {strides = array<i32>} : memref<19x2048xf32, #tpu.memory_space<vmem>>, vector<1x16xf32>,
        %get3A_456 = vector.shape_cast %get3A_455 : vector<1x16xf32> to vector<16xf32>
        %get3A_457 = arith.constant 8 : i32
        %get3A_458 = arith.index_cast %get3A_457 : i32 to index
        %get3A_459 = arith.index_cast %add3A_413 : i32 to index
        %get3A_460 = tpu.vector_load %arg6[%get3A_458, %get3A_459] {strides = array<i32>} : memref<19x2048xf32, #tpu.memory_space<vmem>>, vector<1x16xf32>,
        %get3A_461 = vector.shape_cast %get3A_460 : vector<1x16xf32> to vector<16xf32>
        %get3A_462 = arith.constant 9 : i32
        %get3A_463 = arith.index_cast %get3A_462 : i32 to index
        %get3A_464 = arith.index_cast %add3A_413 : i32 to index
        %get3A_465 = tpu.vector_load %arg6[%get3A_463, %get3A_464] {strides = array<i32>} : memref<19x2048xf32, #tpu.memory_space<vmem>>, vector<1x16xf32>,
        %get3A_466 = vector.shape_cast %get3A_465 : vector<1x16xf32> to vector<16xf32>
        %get3A_467 = arith.constant 10 : i32
        %get3A_468 = arith.index_cast %get3A_467 : i32 to index
        %get3A_469 = arith.index_cast %add3A_413 : i32 to index
        %get3A_470 = tpu.vector_load %arg6[%get3A_468, %get3A_469] {strides = array<i32>} : memref<19x2048xf32, #tpu.memory_space<vmem>>, vector<1x16xf32>,
        %get3A_471 = vector.shape_cast %get3A_470 : vector<1x16xf32> to vector<16xf32>
        %get3A_472 = arith.constant 11 : i32
        %get3A_473 = arith.index_cast %get3A_472 : i32 to index
        %get3A_474 = arith.index_cast %add3A_413 : i32 to index
        %get3A_475 = tpu.vector_load %arg6[%get3A_473, %get3A_474] {strides = array<i32>} : memref<19x2048xf32, #tpu.memory_space<vmem>>, vector<1x16xf32>,
        %get3A_476 = vector.shape_cast %get3A_475 : vector<1x16xf32> to vector<16xf32>
        %get3A_477 = arith.constant 12 : i32
        %get3A_478 = arith.index_cast %get3A_477 : i32 to index
        %get3A_479 = arith.index_cast %add3A_413 : i32 to index
        %get3A_480 = tpu.vector_load %arg6[%get3A_478, %get3A_479] {strides = array<i32>} : memref<19x2048xf32, #tpu.memory_space<vmem>>, vector<1x16xf32>,
        %get3A_481 = vector.shape_cast %get3A_480 : vector<1x16xf32> to vector<16xf32>
        %get3A_482 = arith.constant 13 : i32
        %get3A_483 = arith.index_cast %get3A_482 : i32 to index
        %get3A_484 = arith.index_cast %add3A_413 : i32 to index
        %get3A_485 = tpu.vector_load %arg6[%get3A_483, %get3A_484] {strides = array<i32>} : memref<19x2048xf32, #tpu.memory_space<vmem>>, vector<1x16xf32>,
        %get3A_486 = vector.shape_cast %get3A_485 : vector<1x16xf32> to vector<16xf32>
        %get3A_487 = arith.constant 14 : i32
        %get3A_488 = arith.index_cast %get3A_487 : i32 to index
        %get3A_489 = arith.index_cast %add3A_413 : i32 to index
        %get3A_490 = tpu.vector_load %arg6[%get3A_488, %get3A_489] {strides = array<i32>} : memref<19x2048xf32, #tpu.memory_space<vmem>>, vector<1x16xf32>,
        %get3A_491 = vector.shape_cast %get3A_490 : vector<1x16xf32> to vector<16xf32>
        %get3A_492 = arith.constant 15 : i32
        %get3A_493 = arith.index_cast %get3A_492 : i32 to index
        %get3A_494 = arith.index_cast %add3A_413 : i32 to index
        %get3A_495 = tpu.vector_load %arg6[%get3A_493, %get3A_494] {strides = array<i32>} : memref<19x2048xf32, #tpu.memory_space<vmem>>, vector<1x16xf32>,
        %get3A_496 = vector.shape_cast %get3A_495 : vector<1x16xf32> to vector<16xf32>
        %get3A_497 = arith.constant 16 : i32
        %get3A_498 = arith.index_cast %get3A_497 : i32 to index
        %get3A_499 = arith.index_cast %add3A_413 : i32 to index
        %get3A_500 = tpu.vector_load %arg6[%get3A_498, %get3A_499] {strides = array<i32>} : memref<19x2048xf32, #tpu.memory_space<vmem>>, vector<1x16xf32>,
        %get3A_501 = vector.shape_cast %get3A_500 : vector<1x16xf32> to vector<16xf32>
        %get3A_502 = arith.constant 17 : i32
        %get3A_503 = arith.index_cast %get3A_502 : i32 to index
        %get3A_504 = arith.index_cast %add3A_413 : i32 to index
        %get3A_505 = tpu.vector_load %arg6[%get3A_503, %get3A_504] {strides = array<i32>} : memref<19x2048xf32, #tpu.memory_space<vmem>>, vector<1x16xf32>,
        %get3A_506 = vector.shape_cast %get3A_505 : vector<1x16xf32> to vector<16xf32>
        %get3A_507 = arith.constant 18 : i32
        %get3A_508 = arith.index_cast %get3A_507 : i32 to index
        %get3A_509 = arith.index_cast %add3A_413 : i32 to index
        %get3A_510 = tpu.vector_load %arg6[%get3A_508, %get3A_509] {strides = array<i32>} : memref<19x2048xf32, #tpu.memory_space<vmem>>, vector<1x16xf32>,
        %get3A_511 = vector.shape_cast %get3A_510 : vector<1x16xf32> to vector<16xf32>
        %broadcast_in_dim3A_512 = arith.constant 0.000000e+00 : f32
        %broadcast_in_dim3A_513 = vector.broadcast %broadcast_in_dim3A_512 : f32 to vector<16xf32>
        %add3A_514 = arith.constant 1.000000e+00 : f32
        %add3A_515 = vector.broadcast %add3A_514 : f32 to vector<16xf32>
        %add3A_516 = arith.addf %broadcast_in_dim3A_513, %add3A_515 : vector<16xf32>
        %exp3A_517 = math.exp %get3A_421 : vector<16xf32>
        %exp3A_518 = math.exp %get3A_426 : vector<16xf32>
        %exp3A_519 = math.exp %get3A_431 : vector<16xf32>
        %exp3A_520 = math.exp %get3A_436 : vector<16xf32>
        %exp3A_521 = math.exp %get3A_441 : vector<16xf32>
        %exp3A_522 = math.exp %get3A_446 : vector<16xf32>
        %exp3A_523 = math.exp %get3A_451 : vector<16xf32>
        %exp3A_524 = math.exp %get3A_456 : vector<16xf32>
        %exp3A_525 = math.exp %get3A_461 : vector<16xf32>
        %exp3A_526 = math.exp %get3A_466 : vector<16xf32>
        %exp3A_527 = math.exp %get3A_471 : vector<16xf32>
        %exp3A_528 = math.exp %get3A_476 : vector<16xf32>
        %exp3A_529 = math.exp %get3A_481 : vector<16xf32>
        %exp3A_530 = math.exp %get3A_486 : vector<16xf32>
        %exp3A_531 = math.exp %get3A_491 : vector<16xf32>
        %exp3A_532 = math.exp %get3A_496 : vector<16xf32>
        %exp3A_533 = math.exp %get3A_501 : vector<16xf32>
        %exp3A_534 = math.exp %get3A_506 : vector<16xf32>
        %exp3A_535 = math.exp %get3A_511 : vector<16xf32>
        %add3A_536 = arith.addf %exp3A_517, %exp3A_518 : vector<16xf32>
        %add3A_537 = arith.addf %exp3A_519, %exp3A_520 : vector<16xf32>
        %add3A_538 = arith.addf %exp3A_521, %exp3A_522 : vector<16xf32>
        %add3A_539 = arith.addf %exp3A_523, %exp3A_524 : vector<16xf32>
        %add3A_540 = arith.addf %exp3A_525, %exp3A_526 : vector<16xf32>
        %add3A_541 = arith.addf %exp3A_527, %exp3A_528 : vector<16xf32>
        %add3A_542 = arith.addf %exp3A_529, %exp3A_530 : vector<16xf32>
        %add3A_543 = arith.addf %exp3A_531, %exp3A_532 : vector<16xf32>
        %add3A_544 = arith.addf %exp3A_533, %exp3A_534 : vector<16xf32>
        %add3A_545 = arith.addf %add3A_536, %add3A_537 : vector<16xf32>
        %add3A_546 = arith.addf %add3A_538, %add3A_539 : vector<16xf32>
        %add3A_547 = arith.addf %add3A_540, %add3A_541 : vector<16xf32>
        %add3A_548 = arith.addf %add3A_542, %add3A_543 : vector<16xf32>
        %add3A_549 = arith.addf %add3A_544, %exp3A_535 : vector<16xf32>
        %add3A_550 = arith.addf %add3A_545, %add3A_546 : vector<16xf32>
        %add3A_551 = arith.addf %add3A_547, %add3A_548 : vector<16xf32>
        %add3A_552 = arith.addf %add3A_550, %add3A_551 : vector<16xf32>
        %add3A_553 = arith.addf %add3A_552, %add3A_549 : vector<16xf32>
        %eq3A_554 = arith.constant 0 : i32
        %eq3A_555 = vector.broadcast %eq3A_554 : i32 to vector<16xi32>
        %eq3A_556 = arith.cmpi eq, %get3A_416, %eq3A_555 : vector<16xi32>
        %select_n3A_557 = arith.select %eq3A_556, %get3A_421, %broadcast_in_dim3A_513 : vector<16xi1>, vector<16xf32>
        %eq3A_558 = arith.constant 1 : i32
        %eq3A_559 = vector.broadcast %eq3A_558 : i32 to vector<16xi32>
        %eq3A_560 = arith.cmpi eq, %get3A_416, %eq3A_559 : vector<16xi32>
        %select_n3A_561 = arith.select %eq3A_560, %get3A_426, %broadcast_in_dim3A_513 : vector<16xi1>, vector<16xf32>
        %eq3A_562 = arith.constant 2 : i32
        %eq3A_563 = vector.broadcast %eq3A_562 : i32 to vector<16xi32>
        %eq3A_564 = arith.cmpi eq, %get3A_416, %eq3A_563 : vector<16xi32>
        %select_n3A_565 = arith.select %eq3A_564, %get3A_431, %broadcast_in_dim3A_513 : vector<16xi1>, vector<16xf32>
        %eq3A_566 = arith.constant 3 : i32
        %eq3A_567 = vector.broadcast %eq3A_566 : i32 to vector<16xi32>
        %eq3A_568 = arith.cmpi eq, %get3A_416, %eq3A_567 : vector<16xi32>
        %select_n3A_569 = arith.select %eq3A_568, %get3A_436, %broadcast_in_dim3A_513 : vector<16xi1>, vector<16xf32>
        %eq3A_570 = arith.constant 4 : i32
        %eq3A_571 = vector.broadcast %eq3A_570 : i32 to vector<16xi32>
        %eq3A_572 = arith.cmpi eq, %get3A_416, %eq3A_571 : vector<16xi32>
        %select_n3A_573 = arith.select %eq3A_572, %get3A_441, %broadcast_in_dim3A_513 : vector<16xi1>, vector<16xf32>
        %eq3A_574 = arith.constant 5 : i32
        %eq3A_575 = vector.broadcast %eq3A_574 : i32 to vector<16xi32>
        %eq3A_576 = arith.cmpi eq, %get3A_416, %eq3A_575 : vector<16xi32>
        %select_n3A_577 = arith.select %eq3A_576, %get3A_446, %broadcast_in_dim3A_513 : vector<16xi1>, vector<16xf32>
        %eq3A_578 = arith.constant 6 : i32
        %eq3A_579 = vector.broadcast %eq3A_578 : i32 to vector<16xi32>
        %eq3A_580 = arith.cmpi eq, %get3A_416, %eq3A_579 : vector<16xi32>
        %select_n3A_581 = arith.select %eq3A_580, %get3A_451, %broadcast_in_dim3A_513 : vector<16xi1>, vector<16xf32>
        %eq3A_582 = arith.constant 7 : i32
        %eq3A_583 = vector.broadcast %eq3A_582 : i32 to vector<16xi32>
        %eq3A_584 = arith.cmpi eq, %get3A_416, %eq3A_583 : vector<16xi32>
        %select_n3A_585 = arith.select %eq3A_584, %get3A_456, %broadcast_in_dim3A_513 : vector<16xi1>, vector<16xf32>
        %eq3A_586 = arith.constant 8 : i32
        %eq3A_587 = vector.broadcast %eq3A_586 : i32 to vector<16xi32>
        %eq3A_588 = arith.cmpi eq, %get3A_416, %eq3A_587 : vector<16xi32>
        %select_n3A_589 = arith.select %eq3A_588, %get3A_461, %broadcast_in_dim3A_513 : vector<16xi1>, vector<16xf32>
        %eq3A_590 = arith.constant 9 : i32
        %eq3A_591 = vector.broadcast %eq3A_590 : i32 to vector<16xi32>
        %eq3A_592 = arith.cmpi eq, %get3A_416, %eq3A_591 : vector<16xi32>
        %select_n3A_593 = arith.select %eq3A_592, %get3A_466, %broadcast_in_dim3A_513 : vector<16xi1>, vector<16xf32>
        %eq3A_594 = arith.constant 10 : i32
        %eq3A_595 = vector.broadcast %eq3A_594 : i32 to vector<16xi32>
        %eq3A_596 = arith.cmpi eq, %get3A_416, %eq3A_595 : vector<16xi32>
        %select_n3A_597 = arith.select %eq3A_596, %get3A_471, %broadcast_in_dim3A_513 : vector<16xi1>, vector<16xf32>
        %eq3A_598 = arith.constant 11 : i32
        %eq3A_599 = vector.broadcast %eq3A_598 : i32 to vector<16xi32>
        %eq3A_600 = arith.cmpi eq, %get3A_416, %eq3A_599 : vector<16xi32>
        %select_n3A_601 = arith.select %eq3A_600, %get3A_476, %broadcast_in_dim3A_513 : vector<16xi1>, vector<16xf32>
        %eq3A_602 = arith.constant 12 : i32
        %eq3A_603 = vector.broadcast %eq3A_602 : i32 to vector<16xi32>
        %eq3A_604 = arith.cmpi eq, %get3A_416, %eq3A_603 : vector<16xi32>
        %select_n3A_605 = arith.select %eq3A_604, %get3A_481, %broadcast_in_dim3A_513 : vector<16xi1>, vector<16xf32>
        %eq3A_606 = arith.constant 13 : i32
        %eq3A_607 = vector.broadcast %eq3A_606 : i32 to vector<16xi32>
        %eq3A_608 = arith.cmpi eq, %get3A_416, %eq3A_607 : vector<16xi32>
        %select_n3A_609 = arith.select %eq3A_608, %get3A_486, %broadcast_in_dim3A_513 : vector<16xi1>, vector<16xf32>
        %eq3A_610 = arith.constant 14 : i32
        %eq3A_611 = vector.broadcast %eq3A_610 : i32 to vector<16xi32>
        %eq3A_612 = arith.cmpi eq, %get3A_416, %eq3A_611 : vector<16xi32>
        %select_n3A_613 = arith.select %eq3A_612, %get3A_491, %broadcast_in_dim3A_513 : vector<16xi1>, vector<16xf32>
        %eq3A_614 = arith.constant 15 : i32
        %eq3A_615 = vector.broadcast %eq3A_614 : i32 to vector<16xi32>
        %eq3A_616 = arith.cmpi eq, %get3A_416, %eq3A_615 : vector<16xi32>
        %select_n3A_617 = arith.select %eq3A_616, %get3A_496, %broadcast_in_dim3A_513 : vector<16xi1>, vector<16xf32>
        %eq3A_618 = arith.constant 16 : i32
        %eq3A_619 = vector.broadcast %eq3A_618 : i32 to vector<16xi32>
        %eq3A_620 = arith.cmpi eq, %get3A_416, %eq3A_619 : vector<16xi32>
        %select_n3A_621 = arith.select %eq3A_620, %get3A_501, %broadcast_in_dim3A_513 : vector<16xi1>, vector<16xf32>
        %eq3A_622 = arith.constant 17 : i32
        %eq3A_623 = vector.broadcast %eq3A_622 : i32 to vector<16xi32>
        %eq3A_624 = arith.cmpi eq, %get3A_416, %eq3A_623 : vector<16xi32>
        %select_n3A_625 = arith.select %eq3A_624, %get3A_506, %broadcast_in_dim3A_513 : vector<16xi1>, vector<16xf32>
        %eq3A_626 = arith.constant 18 : i32
        %eq3A_627 = vector.broadcast %eq3A_626 : i32 to vector<16xi32>
        %eq3A_628 = arith.cmpi eq, %get3A_416, %eq3A_627 : vector<16xi32>
        %select_n3A_629 = arith.select %eq3A_628, %get3A_511, %broadcast_in_dim3A_513 : vector<16xi1>, vector<16xf32>
        %add3A_630 = arith.addf %select_n3A_557, %select_n3A_561 : vector<16xf32>
        %add3A_631 = arith.addf %select_n3A_565, %select_n3A_569 : vector<16xf32>
        %add3A_632 = arith.addf %select_n3A_573, %select_n3A_577 : vector<16xf32>
        %add3A_633 = arith.addf %select_n3A_581, %select_n3A_585 : vector<16xf32>
        %add3A_634 = arith.addf %select_n3A_589, %select_n3A_593 : vector<16xf32>
        %add3A_635 = arith.addf %select_n3A_597, %select_n3A_601 : vector<16xf32>
        %add3A_636 = arith.addf %select_n3A_605, %select_n3A_609 : vector<16xf32>
        %add3A_637 = arith.addf %select_n3A_613, %select_n3A_617 : vector<16xf32>
        %add3A_638 = arith.addf %select_n3A_621, %select_n3A_625 : vector<16xf32>
        %add3A_639 = arith.addf %add3A_630, %add3A_631 : vector<16xf32>
        %add3A_640 = arith.addf %add3A_632, %add3A_633 : vector<16xf32>
        %add3A_641 = arith.addf %add3A_634, %add3A_635 : vector<16xf32>
        %add3A_642 = arith.addf %add3A_636, %add3A_637 : vector<16xf32>
        %add3A_643 = arith.addf %add3A_638, %select_n3A_629 : vector<16xf32>
        %add3A_644 = arith.addf %add3A_639, %add3A_640 : vector<16xf32>
        %add3A_645 = arith.addf %add3A_641, %add3A_642 : vector<16xf32>
        %add3A_646 = arith.addf %add3A_644, %add3A_645 : vector<16xf32>
        %add3A_647 = arith.addf %add3A_646, %add3A_643 : vector<16xf32>
        %ne3A_648 = arith.constant 255 : i32
        %ne3A_649 = vector.broadcast %ne3A_648 : i32 to vector<16xi32>
        %ne3A_650 = arith.cmpi ne, %get3A_416, %ne3A_649 : vector<16xi32>
        %bitcast_convert_type3A_651 = tpu.bitcast %add3A_553 : vector<16xf32> -> vector<16xi32>
        %shift_right_arithmetic3A_652 = arith.constant 23 : i32
        %shift_right_arithmetic3A_653 = vector.broadcast %shift_right_arithmetic3A_652 : i32 to vector<16xi32>
        %shift_right_arithmetic3A_654 = arith.shrsi %bitcast_convert_type3A_651, %shift_right_arithmetic3A_653 : vector<16xi32>
        %and3A_655 = arith.constant 255 : i32
        %and3A_656 = vector.broadcast %and3A_655 : i32 to vector<16xi32>
        %and3A_657 = arith.andi %shift_right_arithmetic3A_654, %and3A_656 : vector<16xi32>
        %sub3A_658 = arith.constant 127 : i32
        %sub3A_659 = vector.broadcast %sub3A_658 : i32 to vector<16xi32>
        %sub3A_660 = arith.subi %and3A_657, %sub3A_659 : vector<16xi32>
        %and3A_661 = arith.constant 8388607 : i32
        %and3A_662 = vector.broadcast %and3A_661 : i32 to vector<16xi32>
        %and3A_663 = arith.andi %bitcast_convert_type3A_651, %and3A_662 : vector<16xi32>
        %or3A_664 = arith.constant 1065353216 : i32
        %or3A_665 = vector.broadcast %or3A_664 : i32 to vector<16xi32>
        %or3A_666 = arith.ori %and3A_663, %or3A_665 : vector<16xi32>
        %bitcast_convert_type3A_667 = tpu.bitcast %or3A_666 : vector<16xi32> -> vector<16xf32>
        %gt3A_668 = arith.constant 1.41421354 : f32
        %gt3A_669 = vector.broadcast %gt3A_668 : f32 to vector<16xf32>
        %gt3A_670 = arith.cmpf ogt, %bitcast_convert_type3A_667, %gt3A_669 : vector<16xf32>
        %mul3A_671 = arith.constant 5.000000e-01 : f32
        %mul3A_672 = vector.broadcast %mul3A_671 : f32 to vector<16xf32>
        %mul3A_673 = arith.mulf %bitcast_convert_type3A_667, %mul3A_672 : vector<16xf32>
        %select_n3A_674 = arith.select %gt3A_670, %mul3A_673, %bitcast_convert_type3A_667 : vector<16xi1>, vector<16xf32>
        %add3A_675 = arith.constant 1 : i32
        %add3A_676 = vector.broadcast %add3A_675 : i32 to vector<16xi32>
        %add3A_677 = arith.addi %sub3A_660, %add3A_676 : vector<16xi32>
        %select_n3A_678 = arith.select %gt3A_670, %add3A_677, %sub3A_660 : vector<16xi1>, vector<16xi32>
        %convert_element_type3A_679 = arith.sitofp %select_n3A_678 : vector<16xi32> to vector<16xf32>
        %sub3A_680 = arith.constant 1.000000e+00 : f32
        %sub3A_681 = vector.broadcast %sub3A_680 : f32 to vector<16xf32>
        %sub3A_682 = arith.subf %select_n3A_674, %sub3A_681 : vector<16xf32>
        %add3A_683 = arith.constant 1.000000e+00 : f32
        %add3A_684 = vector.broadcast %add3A_683 : f32 to vector<16xf32>
        %add3A_685 = arith.addf %select_n3A_674, %add3A_684 : vector<16xf32>
        %div3A_686 = arith.divf %sub3A_682, %add3A_685 : vector<16xf32>
        %mul3A_687 = arith.mulf %div3A_686, %div3A_686 : vector<16xf32>
        %mul3A_688 = arith.constant 0.111111112 : f32
        %mul3A_689 = vector.broadcast %mul3A_688 : f32 to vector<16xf32>
        %mul3A_690 = arith.mulf %mul3A_689, %mul3A_687 : vector<16xf32>
        %add3A_691 = arith.constant 0.142857149 : f32
        %add3A_692 = vector.broadcast %add3A_691 : f32 to vector<16xf32>
        %add3A_693 = arith.addf %mul3A_690, %add3A_692 : vector<16xf32>
        %mul3A_694 = arith.mulf %add3A_693, %mul3A_687 : vector<16xf32>
        %add3A_695 = arith.constant 2.000000e-01 : f32
        %add3A_696 = vector.broadcast %add3A_695 : f32 to vector<16xf32>
        %add3A_697 = arith.addf %mul3A_694, %add3A_696 : vector<16xf32>
        %mul3A_698 = arith.mulf %add3A_697, %mul3A_687 : vector<16xf32>
        %add3A_699 = arith.constant 0.333333343 : f32
        %add3A_700 = vector.broadcast %add3A_699 : f32 to vector<16xf32>
        %add3A_701 = arith.addf %mul3A_698, %add3A_700 : vector<16xf32>
        %mul3A_702 = arith.mulf %add3A_701, %mul3A_687 : vector<16xf32>
        %add3A_703 = arith.constant 1.000000e+00 : f32
        %add3A_704 = vector.broadcast %add3A_703 : f32 to vector<16xf32>
        %add3A_705 = arith.addf %mul3A_702, %add3A_704 : vector<16xf32>
        %mul3A_706 = arith.constant 0.693147182 : f32
        %mul3A_707 = vector.broadcast %mul3A_706 : f32 to vector<16xf32>
        %mul3A_708 = arith.mulf %convert_element_type3A_679, %mul3A_707 : vector<16xf32>
        %mul3A_709 = arith.constant 2.000000e+00 : f32
        %mul3A_710 = vector.broadcast %mul3A_709 : f32 to vector<16xf32>
        %mul3A_711 = arith.mulf %mul3A_710, %div3A_686 : vector<16xf32>
        %mul3A_712 = arith.mulf %mul3A_711, %add3A_705 : vector<16xf32>
        %add3A_713 = arith.addf %mul3A_708, %mul3A_712 : vector<16xf32>
        %sub3A_714 = arith.subf %add3A_713, %add3A_647 : vector<16xf32>
        %select_n3A_715 = arith.select %ne3A_650, %sub3A_714, %broadcast_in_dim3A_513 : vector<16xi1>, vector<16xf32>
        %swap3A_716 = arith.index_cast %add3A_413 : i32 to index
        %swap3A_717 = tpu.vector_load %arg8[%swap3A_716] {strides = array<i32>} : memref<2048xf32, #tpu.memory_space<vmem>>, vector<16xf32>,
        %swap3A_718 = vector.shape_cast %swap3A_717 : vector<16xf32> to vector<16xf32>
        %swap3A_719 = vector.shape_cast %select_n3A_715 : vector<16xf32> to vector<16xf32>
        tpu.vector_store %arg8[%swap3A_716], %swap3A_719 {strides = array<i32>} : memref<2048xf32, #tpu.memory_space<vmem>>, vector<16xf32>,
        %gt3A_720 = arith.constant 0.356674939 : f32
        %gt3A_721 = vector.broadcast %gt3A_720 : f32 to vector<16xf32>
        %gt3A_722 = arith.cmpf ogt, %select_n3A_715, %gt3A_721 : vector<16xf32>
        %select_n3A_723 = arith.select %gt3A_722, %add3A_516, %broadcast_in_dim3A_513 : vector<16xi1>, vector<16xf32>
        %add3A_724 = arith.addf %add3A_405, %select_n3A_723 : vector<16xf32>
        %select_n3A_725 = arith.select %gt3A_722, %select_n3A_715, %broadcast_in_dim3A_513 : vector<16xi1>, vector<16xf32>
        %add3A_726 = arith.addf %add3A_407, %select_n3A_725 : vector<16xf32>
        %select_n3A_727 = arith.select %ne3A_650, %add3A_516, %broadcast_in_dim3A_513 : vector<16xi1>, vector<16xf32>
        %add3A_728 = arith.addf %add3A_409, %select_n3A_727 : vector<16xf32>
        %swap3A_729 = arith.constant 0 : index
        %swap3A_730 = tpu.vector_load %arg10[%swap3A_729] {strides = array<i32>} : memref<16xf32, #tpu.memory_space<vmem>>, vector<16xf32>,
        %swap3A_731 = vector.shape_cast %swap3A_730 : vector<16xf32> to vector<16xf32>
        %swap3A_732 = vector.shape_cast %add3A_724 : vector<16xf32> to vector<16xf32>
        tpu.vector_store %arg10[%swap3A_729], %swap3A_732 {strides = array<i32>} : memref<16xf32, #tpu.memory_space<vmem>>, vector<16xf32>,
        %swap3A_733 = arith.constant 0 : index
        %swap3A_734 = tpu.vector_load %arg11[%swap3A_733] {strides = array<i32>} : memref<16xf32, #tpu.memory_space<vmem>>, vector<16xf32>,
        %swap3A_735 = vector.shape_cast %swap3A_734 : vector<16xf32> to vector<16xf32>
        %swap3A_736 = vector.shape_cast %add3A_726 : vector<16xf32> to vector<16xf32>
        tpu.vector_store %arg11[%swap3A_733], %swap3A_736 {strides = array<i32>} : memref<16xf32, #tpu.memory_space<vmem>>, vector<16xf32>,
        %swap3A_737 = arith.constant 0 : index
        %swap3A_738 = tpu.vector_load %arg12[%swap3A_737] {strides = array<i32>} : memref<16xf32, #tpu.memory_space<vmem>>, vector<16xf32>,
        %swap3A_739 = vector.shape_cast %swap3A_738 : vector<16xf32> to vector<16xf32>
        %swap3A_740 = vector.shape_cast %add3A_728 : vector<16xf32> to vector<16xf32>
        tpu.vector_store %arg12[%swap3A_737], %swap3A_740 {strides = array<i32>} : memref<16xf32, #tpu.memory_space<vmem>>, vector<16xf32>,
      }
      %scan3A_84 = arith.constant 64 : i32
      %sub3A_85 = arith.constant 6 : i32
      %sub3A_86 = arith.subi %add3A_18, %sub3A_85 : i32
      "tpu.region"() ({
        %run_scoped3A = tpu.sem_alloc : memref<!tpu.dma_semaphore, #tpu.memory_space<semaphore_mem>>
        %dma_start3A = tpu.memref_slice %arg5[%sub3A_86, %add3A_79] : memref<2x262144xf32, #tpu.memory_space<hbm>> -> memref<1x2048xf32, #tpu.memory_space<hbm>>
        %dma_start3A_87 = tpu.memref_squeeze %dma_start3A : memref<1x2048xf32, #tpu.memory_space<hbm>> -> memref<2048xf32, #tpu.memory_space<hbm>>
        %dma_start3A_88 = tpu.memref_slice %arg5[%sub3A_86, %add3A_79] : memref<2x262144xf32, #tpu.memory_space<hbm>> -> memref<1x2048xf32, #tpu.memory_space<hbm>>
        %dma_start3A_89 = tpu.memref_squeeze %dma_start3A_88 : memref<1x2048xf32, #tpu.memory_space<hbm>> -> memref<2048xf32, #tpu.memory_space<hbm>>
        tpu.enqueue_dma source(%arg8 : memref<2048xf32, #tpu.memory_space<vmem>>) target(%dma_start3A_89 : memref<2048xf32, #tpu.memory_space<hbm>>) target_semaphore(%run_scoped3A : memref<!tpu.dma_semaphore, #tpu.memory_space<semaphore_mem>>)
        %dma_wait3A = tpu.memref_slice %arg5[%sub3A_86, %add3A_79] : memref<2x262144xf32, #tpu.memory_space<hbm>> -> memref<1x2048xf32, #tpu.memory_space<hbm>>
        %dma_wait3A_90 = tpu.memref_squeeze %dma_wait3A : memref<1x2048xf32, #tpu.memory_space<hbm>> -> memref<2048xf32, #tpu.memory_space<hbm>>
        %dma_wait3A_91 = tpu.memref_slice %arg5[%sub3A_86, %add3A_79] : memref<2x262144xf32, #tpu.memory_space<hbm>> -> memref<1x2048xf32, #tpu.memory_space<hbm>>
        %dma_wait3A_92 = tpu.memref_squeeze %dma_wait3A_91 : memref<1x2048xf32, #tpu.memory_space<hbm>> -> memref<2048xf32, #tpu.memory_space<hbm>>
        tpu.wait_dma2 semaphore(%run_scoped3A : memref<!tpu.dma_semaphore, #tpu.memory_space<semaphore_mem>>) src(%arg8 : memref<2048xf32, #tpu.memory_space<vmem>>) dst(%dma_wait3A_92 : memref<2048xf32, #tpu.memory_space<hbm>>)
        tpu.yield
      }) : () -> ()
    }
    %scan3A_51 = arith.constant 8 : i32
    %get3A = arith.constant 0 : index
    %get3A_52 = tpu.vector_load %arg10[%get3A] {strides = array<i32>} : memref<16xf32, #tpu.memory_space<vmem>>, vector<16xf32>,
    %get3A_53 = vector.shape_cast %get3A_52 : vector<16xf32> to vector<16xf32>
    %swap3A_54 = arith.constant 0 : index
    %swap3A_55 = tpu.vector_load %arg9[%swap3A_54] {strides = array<i32>} : memref<64xf32, #tpu.memory_space<vmem>>, vector<16xf32>,
    %swap3A_56 = vector.shape_cast %swap3A_55 : vector<16xf32> to vector<16xf32>
    %swap3A_57 = vector.shape_cast %get3A_53 : vector<16xf32> to vector<16xf32>
    tpu.vector_store %arg9[%swap3A_54], %swap3A_57 {strides = array<i32>} : memref<64xf32, #tpu.memory_space<vmem>>, vector<16xf32>,
    %get3A_58 = arith.constant 0 : index
    %get3A_59 = tpu.vector_load %arg11[%get3A_58] {strides = array<i32>} : memref<16xf32, #tpu.memory_space<vmem>>, vector<16xf32>,
    %get3A_60 = vector.shape_cast %get3A_59 : vector<16xf32> to vector<16xf32>
    %swap3A_61 = arith.constant 16 : index
    %swap3A_62 = tpu.vector_load %arg9[%swap3A_61] {strides = array<i32>} : memref<64xf32, #tpu.memory_space<vmem>>, vector<16xf32>,
    %swap3A_63 = vector.shape_cast %swap3A_62 : vector<16xf32> to vector<16xf32>
    %swap3A_64 = vector.shape_cast %get3A_60 : vector<16xf32> to vector<16xf32>
    tpu.vector_store %arg9[%swap3A_61], %swap3A_64 {strides = array<i32>} : memref<64xf32, #tpu.memory_space<vmem>>, vector<16xf32>,
    %get3A_65 = arith.constant 0 : index
    %get3A_66 = tpu.vector_load %arg12[%get3A_65] {strides = array<i32>} : memref<16xf32, #tpu.memory_space<vmem>>, vector<16xf32>,
    %get3A_67 = vector.shape_cast %get3A_66 : vector<16xf32> to vector<16xf32>
    %swap3A_68 = arith.constant 32 : index
    %swap3A_69 = tpu.vector_load %arg9[%swap3A_68] {strides = array<i32>} : memref<64xf32, #tpu.memory_space<vmem>>, vector<16xf32>,
    %swap3A_70 = vector.shape_cast %swap3A_69 : vector<16xf32> to vector<16xf32>
    %swap3A_71 = vector.shape_cast %get3A_67 : vector<16xf32> to vector<16xf32>
    tpu.vector_store %arg9[%swap3A_68], %swap3A_71 {strides = array<i32>} : memref<64xf32, #tpu.memory_space<vmem>>, vector<16xf32>,
    %swap3A_72 = arith.constant 48 : index
    %swap3A_73 = tpu.vector_load %arg9[%swap3A_72] {strides = array<i32>} : memref<64xf32, #tpu.memory_space<vmem>>, vector<16xf32>,
    %swap3A_74 = vector.shape_cast %swap3A_73 : vector<16xf32> to vector<16xf32>
    %swap3A_75 = vector.shape_cast %broadcast_in_dim3A_35 : vector<16xf32> to vector<16xf32>
    tpu.vector_store %arg9[%swap3A_72], %swap3A_75 {strides = array<i32>} : memref<64xf32, #tpu.memory_space<vmem>>, vector<16xf32>,
    "tpu.region"() ({
      %run_scoped3A = tpu.sem_alloc : memref<!tpu.dma_semaphore, #tpu.memory_space<semaphore_mem>>
      %dma_start3A = arith.constant 0 : i32
      %dma_start3A_76 = tpu.memref_slice %arg4[%add3A, %dma_start3A] : memref<32x64xf32, #tpu.memory_space<hbm>> -> memref<1x64xf32, #tpu.memory_space<hbm>>
      %dma_start3A_77 = tpu.memref_squeeze %dma_start3A_76 : memref<1x64xf32, #tpu.memory_space<hbm>> -> memref<64xf32, #tpu.memory_space<hbm>>
      %dma_start3A_78 = arith.constant 0 : i32
      %dma_start3A_79 = tpu.memref_slice %arg4[%add3A, %dma_start3A_78] : memref<32x64xf32, #tpu.memory_space<hbm>> -> memref<1x64xf32, #tpu.memory_space<hbm>>
      %dma_start3A_80 = tpu.memref_squeeze %dma_start3A_79 : memref<1x64xf32, #tpu.memory_space<hbm>> -> memref<64xf32, #tpu.memory_space<hbm>>
      tpu.enqueue_dma source(%arg9 : memref<64xf32, #tpu.memory_space<vmem>>) target(%dma_start3A_80 : memref<64xf32, #tpu.memory_space<hbm>>) target_semaphore(%run_scoped3A : memref<!tpu.dma_semaphore, #tpu.memory_space<semaphore_mem>>)
      %dma_wait3A = arith.constant 0 : i32
      %dma_wait3A_81 = tpu.memref_slice %arg4[%add3A, %dma_wait3A] : memref<32x64xf32, #tpu.memory_space<hbm>> -> memref<1x64xf32, #tpu.memory_space<hbm>>
      %dma_wait3A_82 = tpu.memref_squeeze %dma_wait3A_81 : memref<1x64xf32, #tpu.memory_space<hbm>> -> memref<64xf32, #tpu.memory_space<hbm>>
      %dma_wait3A_83 = arith.constant 0 : i32
      %dma_wait3A_84 = tpu.memref_slice %arg4[%add3A, %dma_wait3A_83] : memref<32x64xf32, #tpu.memory_space<hbm>> -> memref<1x64xf32, #tpu.memory_space<hbm>>
      %dma_wait3A_85 = tpu.memref_squeeze %dma_wait3A_84 : memref<1x64xf32, #tpu.memory_space<hbm>> -> memref<64xf32, #tpu.memory_space<hbm>>
      tpu.wait_dma2 semaphore(%run_scoped3A : memref<!tpu.dma_semaphore, #tpu.memory_space<semaphore_mem>>) src(%arg9 : memref<64xf32, #tpu.memory_space<vmem>>) dst(%dma_wait3A_85 : memref<64xf32, #tpu.memory_space<hbm>>)
      tpu.yield
    }) : () -> ()
    return
  }
}

module attributes {stable_mosaic.version = 14 : i64} {
  func.func @_tc_body(%arg0: i32, %arg1: memref<1x19x1x1x64x1024xf32, #tpu.memory_space<vmem>>, %arg2: memref<1x19x1x1x64x1024xf32, #tpu.memory_space<vmem>>, %arg3: memref<1x128x1024xi32, #tpu.memory_space<vmem>>, %arg4: memref<1x128x1024xf32, #tpu.memory_space<vmem>>, %arg5: memref<3xf32, #tpu.memory_space<smem>>, %arg6: memref<64x1024xf32, #tpu.memory_space<vmem>>, %arg7: memref<64x1024xf32, #tpu.memory_space<vmem>>, %arg8: memref<64x1024xf32, #tpu.memory_space<vmem>>) attributes {dimension_semantics = [#tpu.dimension_semantics<arbitrary>], iteration_bounds = array<i64: 12>, scalar_prefetch = 0 : i64, scratch_operands = 3 : i64, tpu.core_type = #tpu.core_type<tc>, window_params = [{transform_indices = @transform_0, window_bounds = array<i64: 1, 19, 1, 1, 64, 1024>}, {transform_indices = @transform_1, window_bounds = array<i64: 1, 19, 1, 1, 64, 1024>}, {transform_indices = @transform_2, window_bounds = array<i64: 1, 128, 1024>}, {transform_indices = @transform_3, window_bounds = array<i64: 1, 128, 1024>}, {transform_indices = @transform_4, window_bounds = array<i64: 3>}]} {
    %get3A = arith.constant 0 : index
    %get3A_0 = arith.constant 0 : index
    %get3A_1 = arith.constant 0 : index
    %get3A_2 = vector.load %arg3[%get3A, %get3A_0, %get3A_1] : memref<1x128x1024xi32, #tpu.memory_space<vmem>>, vector<1x128x1024xi32>
    %get3A_3 = vector.shape_cast %get3A_2 : vector<1x128x1024xi32> to vector<128x1024xi32>
    %eq3A = arith.constant 0 : i32
    %eq3A_4 = arith.cmpi eq, %arg0, %eq3A : i32
    %convert_element_type3A = arith.extui %eq3A_4 : i1 to i32
    %cond3A = arith.constant 0 : i32
    %cond3A_5 = arith.cmpi ne, %convert_element_type3A, %cond3A : i32
    scf.if %cond3A_5 {
      %broadcast_in_dim3A_632 = arith.constant 0.000000e+00 : f32
      %broadcast_in_dim3A_633 = vector.broadcast %broadcast_in_dim3A_632 : f32 to vector<64x1024xf32>
      %swap3A_634 = arith.constant 0 : index
      %swap3A_635 = arith.constant 0 : index
      %swap3A_636 = vector.load %arg6[%swap3A_634, %swap3A_635] : memref<64x1024xf32, #tpu.memory_space<vmem>>, vector<64x1024xf32>
      tpu.vector_store %arg6[%swap3A_634, %swap3A_635], %broadcast_in_dim3A_633 {strides = array<i32>} : memref<64x1024xf32, #tpu.memory_space<vmem>>, vector<64x1024xf32>,
      %broadcast_in_dim3A_637 = arith.constant 0.000000e+00 : f32
      %broadcast_in_dim3A_638 = vector.broadcast %broadcast_in_dim3A_637 : f32 to vector<64x1024xf32>
      %swap3A_639 = arith.constant 0 : index
      %swap3A_640 = arith.constant 0 : index
      %swap3A_641 = vector.load %arg7[%swap3A_639, %swap3A_640] : memref<64x1024xf32, #tpu.memory_space<vmem>>, vector<64x1024xf32>
      tpu.vector_store %arg7[%swap3A_639, %swap3A_640], %broadcast_in_dim3A_638 {strides = array<i32>} : memref<64x1024xf32, #tpu.memory_space<vmem>>, vector<64x1024xf32>,
      %broadcast_in_dim3A_642 = arith.constant 0.000000e+00 : f32
      %broadcast_in_dim3A_643 = vector.broadcast %broadcast_in_dim3A_642 : f32 to vector<64x1024xf32>
      %swap3A_644 = arith.constant 0 : index
      %swap3A_645 = arith.constant 0 : index
      %swap3A_646 = vector.load %arg8[%swap3A_644, %swap3A_645] : memref<64x1024xf32, #tpu.memory_space<vmem>>, vector<64x1024xf32>
      tpu.vector_store %arg8[%swap3A_644, %swap3A_645], %broadcast_in_dim3A_643 {strides = array<i32>} : memref<64x1024xf32, #tpu.memory_space<vmem>>, vector<64x1024xf32>,
    } else {
    }
    %slice3A = vector.extract_strided_slice %get3A_3 {offsets = [0, 0], sizes = [64, 1024], strides = [1, 1]} : vector<128x1024xi32> to vector<64x1024xi32>
    %broadcast_in_dim3A = arith.constant 0.000000e+00 : f32
    %broadcast_in_dim3A_6 = vector.broadcast %broadcast_in_dim3A : f32 to vector<64x1024xf32>
    %broadcast_in_dim3A_7 = arith.constant 0.000000e+00 : f32
    %broadcast_in_dim3A_8 = vector.broadcast %broadcast_in_dim3A_7 : f32 to vector<64x1024xf32>
    %get3A_9 = arith.constant 0 : index
    %get3A_10 = arith.constant 0 : index
    %get3A_11 = arith.constant 0 : index
    %get3A_12 = arith.constant 0 : index
    %get3A_13 = arith.constant 0 : index
    %get3A_14 = arith.constant 0 : index
    %get3A_15 = vector.load %arg1[%get3A_9, %get3A_10, %get3A_11, %get3A_12, %get3A_13, %get3A_14] : memref<1x19x1x1x64x1024xf32, #tpu.memory_space<vmem>>, vector<1x1x1x1x64x1024xf32>
    %get3A_16 = vector.shape_cast %get3A_15 : vector<1x1x1x1x64x1024xf32> to vector<64x1024xf32>
    %exp3A = math.exp %get3A_16 : vector<64x1024xf32>
    %add3A = arith.addf %broadcast_in_dim3A_6, %exp3A : vector<64x1024xf32>
    %eq3A_17 = arith.constant 0 : i32
    %eq3A_18 = vector.broadcast %eq3A_17 : i32 to vector<64x1024xi32>
    %eq3A_19 = arith.cmpi eq, %slice3A, %eq3A_18 : vector<64x1024xi32>
    %select_n3A = arith.select %eq3A_19, %get3A_16, %broadcast_in_dim3A_8 : vector<64x1024xi1>, vector<64x1024xf32>
    %get3A_20 = arith.constant 0 : index
    %get3A_21 = arith.constant 1 : index
    %get3A_22 = arith.constant 0 : index
    %get3A_23 = arith.constant 0 : index
    %get3A_24 = arith.constant 0 : index
    %get3A_25 = arith.constant 0 : index
    %get3A_26 = vector.load %arg1[%get3A_20, %get3A_21, %get3A_22, %get3A_23, %get3A_24, %get3A_25] : memref<1x19x1x1x64x1024xf32, #tpu.memory_space<vmem>>, vector<1x1x1x1x64x1024xf32>
    %get3A_27 = vector.shape_cast %get3A_26 : vector<1x1x1x1x64x1024xf32> to vector<64x1024xf32>
    %exp3A_28 = math.exp %get3A_27 : vector<64x1024xf32>
    %add3A_29 = arith.addf %add3A, %exp3A_28 : vector<64x1024xf32>
    %eq3A_30 = arith.constant 1 : i32
    %eq3A_31 = vector.broadcast %eq3A_30 : i32 to vector<64x1024xi32>
    %eq3A_32 = arith.cmpi eq, %slice3A, %eq3A_31 : vector<64x1024xi32>
    %select_n3A_33 = arith.select %eq3A_32, %get3A_27, %select_n3A : vector<64x1024xi1>, vector<64x1024xf32>
    %get3A_34 = arith.constant 0 : index
    %get3A_35 = arith.constant 2 : index
    %get3A_36 = arith.constant 0 : index
    %get3A_37 = arith.constant 0 : index
    %get3A_38 = arith.constant 0 : index
    %get3A_39 = arith.constant 0 : index
    %get3A_40 = vector.load %arg1[%get3A_34, %get3A_35, %get3A_36, %get3A_37, %get3A_38, %get3A_39] : memref<1x19x1x1x64x1024xf32, #tpu.memory_space<vmem>>, vector<1x1x1x1x64x1024xf32>
    %get3A_41 = vector.shape_cast %get3A_40 : vector<1x1x1x1x64x1024xf32> to vector<64x1024xf32>
    %exp3A_42 = math.exp %get3A_41 : vector<64x1024xf32>
    %add3A_43 = arith.addf %add3A_29, %exp3A_42 : vector<64x1024xf32>
    %eq3A_44 = arith.constant 2 : i32
    %eq3A_45 = vector.broadcast %eq3A_44 : i32 to vector<64x1024xi32>
    %eq3A_46 = arith.cmpi eq, %slice3A, %eq3A_45 : vector<64x1024xi32>
    %select_n3A_47 = arith.select %eq3A_46, %get3A_41, %select_n3A_33 : vector<64x1024xi1>, vector<64x1024xf32>
    %get3A_48 = arith.constant 0 : index
    %get3A_49 = arith.constant 3 : index
    %get3A_50 = arith.constant 0 : index
    %get3A_51 = arith.constant 0 : index
    %get3A_52 = arith.constant 0 : index
    %get3A_53 = arith.constant 0 : index
    %get3A_54 = vector.load %arg1[%get3A_48, %get3A_49, %get3A_50, %get3A_51, %get3A_52, %get3A_53] : memref<1x19x1x1x64x1024xf32, #tpu.memory_space<vmem>>, vector<1x1x1x1x64x1024xf32>
    %get3A_55 = vector.shape_cast %get3A_54 : vector<1x1x1x1x64x1024xf32> to vector<64x1024xf32>
    %exp3A_56 = math.exp %get3A_55 : vector<64x1024xf32>
    %add3A_57 = arith.addf %add3A_43, %exp3A_56 : vector<64x1024xf32>
    %eq3A_58 = arith.constant 3 : i32
    %eq3A_59 = vector.broadcast %eq3A_58 : i32 to vector<64x1024xi32>
    %eq3A_60 = arith.cmpi eq, %slice3A, %eq3A_59 : vector<64x1024xi32>
    %select_n3A_61 = arith.select %eq3A_60, %get3A_55, %select_n3A_47 : vector<64x1024xi1>, vector<64x1024xf32>
    %get3A_62 = arith.constant 0 : index
    %get3A_63 = arith.constant 4 : index
    %get3A_64 = arith.constant 0 : index
    %get3A_65 = arith.constant 0 : index
    %get3A_66 = arith.constant 0 : index
    %get3A_67 = arith.constant 0 : index
    %get3A_68 = vector.load %arg1[%get3A_62, %get3A_63, %get3A_64, %get3A_65, %get3A_66, %get3A_67] : memref<1x19x1x1x64x1024xf32, #tpu.memory_space<vmem>>, vector<1x1x1x1x64x1024xf32>
    %get3A_69 = vector.shape_cast %get3A_68 : vector<1x1x1x1x64x1024xf32> to vector<64x1024xf32>
    %exp3A_70 = math.exp %get3A_69 : vector<64x1024xf32>
    %add3A_71 = arith.addf %add3A_57, %exp3A_70 : vector<64x1024xf32>
    %eq3A_72 = arith.constant 4 : i32
    %eq3A_73 = vector.broadcast %eq3A_72 : i32 to vector<64x1024xi32>
    %eq3A_74 = arith.cmpi eq, %slice3A, %eq3A_73 : vector<64x1024xi32>
    %select_n3A_75 = arith.select %eq3A_74, %get3A_69, %select_n3A_61 : vector<64x1024xi1>, vector<64x1024xf32>
    %get3A_76 = arith.constant 0 : index
    %get3A_77 = arith.constant 5 : index
    %get3A_78 = arith.constant 0 : index
    %get3A_79 = arith.constant 0 : index
    %get3A_80 = arith.constant 0 : index
    %get3A_81 = arith.constant 0 : index
    %get3A_82 = vector.load %arg1[%get3A_76, %get3A_77, %get3A_78, %get3A_79, %get3A_80, %get3A_81] : memref<1x19x1x1x64x1024xf32, #tpu.memory_space<vmem>>, vector<1x1x1x1x64x1024xf32>
    %get3A_83 = vector.shape_cast %get3A_82 : vector<1x1x1x1x64x1024xf32> to vector<64x1024xf32>
    %exp3A_84 = math.exp %get3A_83 : vector<64x1024xf32>
    %add3A_85 = arith.addf %add3A_71, %exp3A_84 : vector<64x1024xf32>
    %eq3A_86 = arith.constant 5 : i32
    %eq3A_87 = vector.broadcast %eq3A_86 : i32 to vector<64x1024xi32>
    %eq3A_88 = arith.cmpi eq, %slice3A, %eq3A_87 : vector<64x1024xi32>
    %select_n3A_89 = arith.select %eq3A_88, %get3A_83, %select_n3A_75 : vector<64x1024xi1>, vector<64x1024xf32>
    %get3A_90 = arith.constant 0 : index
    %get3A_91 = arith.constant 6 : index
    %get3A_92 = arith.constant 0 : index
    %get3A_93 = arith.constant 0 : index
    %get3A_94 = arith.constant 0 : index
    %get3A_95 = arith.constant 0 : index
    %get3A_96 = vector.load %arg1[%get3A_90, %get3A_91, %get3A_92, %get3A_93, %get3A_94, %get3A_95] : memref<1x19x1x1x64x1024xf32, #tpu.memory_space<vmem>>, vector<1x1x1x1x64x1024xf32>
    %get3A_97 = vector.shape_cast %get3A_96 : vector<1x1x1x1x64x1024xf32> to vector<64x1024xf32>
    %exp3A_98 = math.exp %get3A_97 : vector<64x1024xf32>
    %add3A_99 = arith.addf %add3A_85, %exp3A_98 : vector<64x1024xf32>
    %eq3A_100 = arith.constant 6 : i32
    %eq3A_101 = vector.broadcast %eq3A_100 : i32 to vector<64x1024xi32>
    %eq3A_102 = arith.cmpi eq, %slice3A, %eq3A_101 : vector<64x1024xi32>
    %select_n3A_103 = arith.select %eq3A_102, %get3A_97, %select_n3A_89 : vector<64x1024xi1>, vector<64x1024xf32>
    %get3A_104 = arith.constant 0 : index
    %get3A_105 = arith.constant 7 : index
    %get3A_106 = arith.constant 0 : index
    %get3A_107 = arith.constant 0 : index
    %get3A_108 = arith.constant 0 : index
    %get3A_109 = arith.constant 0 : index
    %get3A_110 = vector.load %arg1[%get3A_104, %get3A_105, %get3A_106, %get3A_107, %get3A_108, %get3A_109] : memref<1x19x1x1x64x1024xf32, #tpu.memory_space<vmem>>, vector<1x1x1x1x64x1024xf32>
    %get3A_111 = vector.shape_cast %get3A_110 : vector<1x1x1x1x64x1024xf32> to vector<64x1024xf32>
    %exp3A_112 = math.exp %get3A_111 : vector<64x1024xf32>
    %add3A_113 = arith.addf %add3A_99, %exp3A_112 : vector<64x1024xf32>
    %eq3A_114 = arith.constant 7 : i32
    %eq3A_115 = vector.broadcast %eq3A_114 : i32 to vector<64x1024xi32>
    %eq3A_116 = arith.cmpi eq, %slice3A, %eq3A_115 : vector<64x1024xi32>
    %select_n3A_117 = arith.select %eq3A_116, %get3A_111, %select_n3A_103 : vector<64x1024xi1>, vector<64x1024xf32>
    %get3A_118 = arith.constant 0 : index
    %get3A_119 = arith.constant 8 : index
    %get3A_120 = arith.constant 0 : index
    %get3A_121 = arith.constant 0 : index
    %get3A_122 = arith.constant 0 : index
    %get3A_123 = arith.constant 0 : index
    %get3A_124 = vector.load %arg1[%get3A_118, %get3A_119, %get3A_120, %get3A_121, %get3A_122, %get3A_123] : memref<1x19x1x1x64x1024xf32, #tpu.memory_space<vmem>>, vector<1x1x1x1x64x1024xf32>
    %get3A_125 = vector.shape_cast %get3A_124 : vector<1x1x1x1x64x1024xf32> to vector<64x1024xf32>
    %exp3A_126 = math.exp %get3A_125 : vector<64x1024xf32>
    %add3A_127 = arith.addf %add3A_113, %exp3A_126 : vector<64x1024xf32>
    %eq3A_128 = arith.constant 8 : i32
    %eq3A_129 = vector.broadcast %eq3A_128 : i32 to vector<64x1024xi32>
    %eq3A_130 = arith.cmpi eq, %slice3A, %eq3A_129 : vector<64x1024xi32>
    %select_n3A_131 = arith.select %eq3A_130, %get3A_125, %select_n3A_117 : vector<64x1024xi1>, vector<64x1024xf32>
    %get3A_132 = arith.constant 0 : index
    %get3A_133 = arith.constant 9 : index
    %get3A_134 = arith.constant 0 : index
    %get3A_135 = arith.constant 0 : index
    %get3A_136 = arith.constant 0 : index
    %get3A_137 = arith.constant 0 : index
    %get3A_138 = vector.load %arg1[%get3A_132, %get3A_133, %get3A_134, %get3A_135, %get3A_136, %get3A_137] : memref<1x19x1x1x64x1024xf32, #tpu.memory_space<vmem>>, vector<1x1x1x1x64x1024xf32>
    %get3A_139 = vector.shape_cast %get3A_138 : vector<1x1x1x1x64x1024xf32> to vector<64x1024xf32>
    %exp3A_140 = math.exp %get3A_139 : vector<64x1024xf32>
    %add3A_141 = arith.addf %add3A_127, %exp3A_140 : vector<64x1024xf32>
    %eq3A_142 = arith.constant 9 : i32
    %eq3A_143 = vector.broadcast %eq3A_142 : i32 to vector<64x1024xi32>
    %eq3A_144 = arith.cmpi eq, %slice3A, %eq3A_143 : vector<64x1024xi32>
    %select_n3A_145 = arith.select %eq3A_144, %get3A_139, %select_n3A_131 : vector<64x1024xi1>, vector<64x1024xf32>
    %get3A_146 = arith.constant 0 : index
    %get3A_147 = arith.constant 10 : index
    %get3A_148 = arith.constant 0 : index
    %get3A_149 = arith.constant 0 : index
    %get3A_150 = arith.constant 0 : index
    %get3A_151 = arith.constant 0 : index
    %get3A_152 = vector.load %arg1[%get3A_146, %get3A_147, %get3A_148, %get3A_149, %get3A_150, %get3A_151] : memref<1x19x1x1x64x1024xf32, #tpu.memory_space<vmem>>, vector<1x1x1x1x64x1024xf32>
    %get3A_153 = vector.shape_cast %get3A_152 : vector<1x1x1x1x64x1024xf32> to vector<64x1024xf32>
    %exp3A_154 = math.exp %get3A_153 : vector<64x1024xf32>
    %add3A_155 = arith.addf %add3A_141, %exp3A_154 : vector<64x1024xf32>
    %eq3A_156 = arith.constant 10 : i32
    %eq3A_157 = vector.broadcast %eq3A_156 : i32 to vector<64x1024xi32>
    %eq3A_158 = arith.cmpi eq, %slice3A, %eq3A_157 : vector<64x1024xi32>
    %select_n3A_159 = arith.select %eq3A_158, %get3A_153, %select_n3A_145 : vector<64x1024xi1>, vector<64x1024xf32>
    %get3A_160 = arith.constant 0 : index
    %get3A_161 = arith.constant 11 : index
    %get3A_162 = arith.constant 0 : index
    %get3A_163 = arith.constant 0 : index
    %get3A_164 = arith.constant 0 : index
    %get3A_165 = arith.constant 0 : index
    %get3A_166 = vector.load %arg1[%get3A_160, %get3A_161, %get3A_162, %get3A_163, %get3A_164, %get3A_165] : memref<1x19x1x1x64x1024xf32, #tpu.memory_space<vmem>>, vector<1x1x1x1x64x1024xf32>
    %get3A_167 = vector.shape_cast %get3A_166 : vector<1x1x1x1x64x1024xf32> to vector<64x1024xf32>
    %exp3A_168 = math.exp %get3A_167 : vector<64x1024xf32>
    %add3A_169 = arith.addf %add3A_155, %exp3A_168 : vector<64x1024xf32>
    %eq3A_170 = arith.constant 11 : i32
    %eq3A_171 = vector.broadcast %eq3A_170 : i32 to vector<64x1024xi32>
    %eq3A_172 = arith.cmpi eq, %slice3A, %eq3A_171 : vector<64x1024xi32>
    %select_n3A_173 = arith.select %eq3A_172, %get3A_167, %select_n3A_159 : vector<64x1024xi1>, vector<64x1024xf32>
    %get3A_174 = arith.constant 0 : index
    %get3A_175 = arith.constant 12 : index
    %get3A_176 = arith.constant 0 : index
    %get3A_177 = arith.constant 0 : index
    %get3A_178 = arith.constant 0 : index
    %get3A_179 = arith.constant 0 : index
    %get3A_180 = vector.load %arg1[%get3A_174, %get3A_175, %get3A_176, %get3A_177, %get3A_178, %get3A_179] : memref<1x19x1x1x64x1024xf32, #tpu.memory_space<vmem>>, vector<1x1x1x1x64x1024xf32>
    %get3A_181 = vector.shape_cast %get3A_180 : vector<1x1x1x1x64x1024xf32> to vector<64x1024xf32>
    %exp3A_182 = math.exp %get3A_181 : vector<64x1024xf32>
    %add3A_183 = arith.addf %add3A_169, %exp3A_182 : vector<64x1024xf32>
    %eq3A_184 = arith.constant 12 : i32
    %eq3A_185 = vector.broadcast %eq3A_184 : i32 to vector<64x1024xi32>
    %eq3A_186 = arith.cmpi eq, %slice3A, %eq3A_185 : vector<64x1024xi32>
    %select_n3A_187 = arith.select %eq3A_186, %get3A_181, %select_n3A_173 : vector<64x1024xi1>, vector<64x1024xf32>
    %get3A_188 = arith.constant 0 : index
    %get3A_189 = arith.constant 13 : index
    %get3A_190 = arith.constant 0 : index
    %get3A_191 = arith.constant 0 : index
    %get3A_192 = arith.constant 0 : index
    %get3A_193 = arith.constant 0 : index
    %get3A_194 = vector.load %arg1[%get3A_188, %get3A_189, %get3A_190, %get3A_191, %get3A_192, %get3A_193] : memref<1x19x1x1x64x1024xf32, #tpu.memory_space<vmem>>, vector<1x1x1x1x64x1024xf32>
    %get3A_195 = vector.shape_cast %get3A_194 : vector<1x1x1x1x64x1024xf32> to vector<64x1024xf32>
    %exp3A_196 = math.exp %get3A_195 : vector<64x1024xf32>
    %add3A_197 = arith.addf %add3A_183, %exp3A_196 : vector<64x1024xf32>
    %eq3A_198 = arith.constant 13 : i32
    %eq3A_199 = vector.broadcast %eq3A_198 : i32 to vector<64x1024xi32>
    %eq3A_200 = arith.cmpi eq, %slice3A, %eq3A_199 : vector<64x1024xi32>
    %select_n3A_201 = arith.select %eq3A_200, %get3A_195, %select_n3A_187 : vector<64x1024xi1>, vector<64x1024xf32>
    %get3A_202 = arith.constant 0 : index
    %get3A_203 = arith.constant 14 : index
    %get3A_204 = arith.constant 0 : index
    %get3A_205 = arith.constant 0 : index
    %get3A_206 = arith.constant 0 : index
    %get3A_207 = arith.constant 0 : index
    %get3A_208 = vector.load %arg1[%get3A_202, %get3A_203, %get3A_204, %get3A_205, %get3A_206, %get3A_207] : memref<1x19x1x1x64x1024xf32, #tpu.memory_space<vmem>>, vector<1x1x1x1x64x1024xf32>
    %get3A_209 = vector.shape_cast %get3A_208 : vector<1x1x1x1x64x1024xf32> to vector<64x1024xf32>
    %exp3A_210 = math.exp %get3A_209 : vector<64x1024xf32>
    %add3A_211 = arith.addf %add3A_197, %exp3A_210 : vector<64x1024xf32>
    %eq3A_212 = arith.constant 14 : i32
    %eq3A_213 = vector.broadcast %eq3A_212 : i32 to vector<64x1024xi32>
    %eq3A_214 = arith.cmpi eq, %slice3A, %eq3A_213 : vector<64x1024xi32>
    %select_n3A_215 = arith.select %eq3A_214, %get3A_209, %select_n3A_201 : vector<64x1024xi1>, vector<64x1024xf32>
    %get3A_216 = arith.constant 0 : index
    %get3A_217 = arith.constant 15 : index
    %get3A_218 = arith.constant 0 : index
    %get3A_219 = arith.constant 0 : index
    %get3A_220 = arith.constant 0 : index
    %get3A_221 = arith.constant 0 : index
    %get3A_222 = vector.load %arg1[%get3A_216, %get3A_217, %get3A_218, %get3A_219, %get3A_220, %get3A_221] : memref<1x19x1x1x64x1024xf32, #tpu.memory_space<vmem>>, vector<1x1x1x1x64x1024xf32>
    %get3A_223 = vector.shape_cast %get3A_222 : vector<1x1x1x1x64x1024xf32> to vector<64x1024xf32>
    %exp3A_224 = math.exp %get3A_223 : vector<64x1024xf32>
    %add3A_225 = arith.addf %add3A_211, %exp3A_224 : vector<64x1024xf32>
    %eq3A_226 = arith.constant 15 : i32
    %eq3A_227 = vector.broadcast %eq3A_226 : i32 to vector<64x1024xi32>
    %eq3A_228 = arith.cmpi eq, %slice3A, %eq3A_227 : vector<64x1024xi32>
    %select_n3A_229 = arith.select %eq3A_228, %get3A_223, %select_n3A_215 : vector<64x1024xi1>, vector<64x1024xf32>
    %get3A_230 = arith.constant 0 : index
    %get3A_231 = arith.constant 16 : index
    %get3A_232 = arith.constant 0 : index
    %get3A_233 = arith.constant 0 : index
    %get3A_234 = arith.constant 0 : index
    %get3A_235 = arith.constant 0 : index
    %get3A_236 = vector.load %arg1[%get3A_230, %get3A_231, %get3A_232, %get3A_233, %get3A_234, %get3A_235] : memref<1x19x1x1x64x1024xf32, #tpu.memory_space<vmem>>, vector<1x1x1x1x64x1024xf32>
    %get3A_237 = vector.shape_cast %get3A_236 : vector<1x1x1x1x64x1024xf32> to vector<64x1024xf32>
    %exp3A_238 = math.exp %get3A_237 : vector<64x1024xf32>
    %add3A_239 = arith.addf %add3A_225, %exp3A_238 : vector<64x1024xf32>
    %eq3A_240 = arith.constant 16 : i32
    %eq3A_241 = vector.broadcast %eq3A_240 : i32 to vector<64x1024xi32>
    %eq3A_242 = arith.cmpi eq, %slice3A, %eq3A_241 : vector<64x1024xi32>
    %select_n3A_243 = arith.select %eq3A_242, %get3A_237, %select_n3A_229 : vector<64x1024xi1>, vector<64x1024xf32>
    %get3A_244 = arith.constant 0 : index
    %get3A_245 = arith.constant 17 : index
    %get3A_246 = arith.constant 0 : index
    %get3A_247 = arith.constant 0 : index
    %get3A_248 = arith.constant 0 : index
    %get3A_249 = arith.constant 0 : index
    %get3A_250 = vector.load %arg1[%get3A_244, %get3A_245, %get3A_246, %get3A_247, %get3A_248, %get3A_249] : memref<1x19x1x1x64x1024xf32, #tpu.memory_space<vmem>>, vector<1x1x1x1x64x1024xf32>
    %get3A_251 = vector.shape_cast %get3A_250 : vector<1x1x1x1x64x1024xf32> to vector<64x1024xf32>
    %exp3A_252 = math.exp %get3A_251 : vector<64x1024xf32>
    %add3A_253 = arith.addf %add3A_239, %exp3A_252 : vector<64x1024xf32>
    %eq3A_254 = arith.constant 17 : i32
    %eq3A_255 = vector.broadcast %eq3A_254 : i32 to vector<64x1024xi32>
    %eq3A_256 = arith.cmpi eq, %slice3A, %eq3A_255 : vector<64x1024xi32>
    %select_n3A_257 = arith.select %eq3A_256, %get3A_251, %select_n3A_243 : vector<64x1024xi1>, vector<64x1024xf32>
    %get3A_258 = arith.constant 0 : index
    %get3A_259 = arith.constant 18 : index
    %get3A_260 = arith.constant 0 : index
    %get3A_261 = arith.constant 0 : index
    %get3A_262 = arith.constant 0 : index
    %get3A_263 = arith.constant 0 : index
    %get3A_264 = vector.load %arg1[%get3A_258, %get3A_259, %get3A_260, %get3A_261, %get3A_262, %get3A_263] : memref<1x19x1x1x64x1024xf32, #tpu.memory_space<vmem>>, vector<1x1x1x1x64x1024xf32>
    %get3A_265 = vector.shape_cast %get3A_264 : vector<1x1x1x1x64x1024xf32> to vector<64x1024xf32>
    %exp3A_266 = math.exp %get3A_265 : vector<64x1024xf32>
    %add3A_267 = arith.addf %add3A_253, %exp3A_266 : vector<64x1024xf32>
    %eq3A_268 = arith.constant 18 : i32
    %eq3A_269 = vector.broadcast %eq3A_268 : i32 to vector<64x1024xi32>
    %eq3A_270 = arith.cmpi eq, %slice3A, %eq3A_269 : vector<64x1024xi32>
    %select_n3A_271 = arith.select %eq3A_270, %get3A_265, %select_n3A_257 : vector<64x1024xi1>, vector<64x1024xf32>
    %ne3A = arith.constant 255 : i32
    %ne3A_272 = vector.broadcast %ne3A : i32 to vector<64x1024xi32>
    %ne3A_273 = arith.cmpi ne, %slice3A, %ne3A_272 : vector<64x1024xi32>
    %log3A = math.log %add3A_267 : vector<64x1024xf32>
    %sub3A = arith.subf %log3A, %select_n3A_271 : vector<64x1024xf32>
    %jit3A = arith.constant 0.000000e+00 : f32
    %broadcast_in_dim3A_274 = vector.broadcast %jit3A : f32 to vector<64x1024xf32>
    %select_n3A_275 = arith.select %ne3A_273, %sub3A, %broadcast_in_dim3A_274 : vector<64x1024xi1>, vector<64x1024xf32>
    %swap3A = arith.constant 0 : index
    %swap3A_276 = arith.constant 0 : index
    %swap3A_277 = arith.constant 0 : index
    %swap3A_278 = vector.load %arg4[%swap3A, %swap3A_276, %swap3A_277] : memref<1x128x1024xf32, #tpu.memory_space<vmem>>, vector<1x64x1024xf32>
    %swap3A_279 = vector.shape_cast %swap3A_278 : vector<1x64x1024xf32> to vector<64x1024xf32>
    %swap3A_280 = vector.shape_cast %select_n3A_275 : vector<64x1024xf32> to vector<1x64x1024xf32>
    tpu.vector_store %arg4[%swap3A, %swap3A_276, %swap3A_277], %swap3A_280 {strides = array<i32>} : memref<1x128x1024xf32, #tpu.memory_space<vmem>>, vector<1x64x1024xf32>,
    %gt3A = arith.constant 0.356674939 : f32
    %gt3A_281 = vector.broadcast %gt3A : f32 to vector<64x1024xf32>
    %gt3A_282 = arith.cmpf ogt, %select_n3A_275, %gt3A_281 : vector<64x1024xf32>
    %get3A_283 = arith.constant 0 : index
    %get3A_284 = arith.constant 0 : index
    %get3A_285 = vector.load %arg6[%get3A_283, %get3A_284] : memref<64x1024xf32, #tpu.memory_space<vmem>>, vector<64x1024xf32>
    %convert_element_type3A_286 = arith.extui %gt3A_282 : vector<64x1024xi1> to vector<64x1024xi32>
    %convert_element_type3A_287 = arith.sitofp %convert_element_type3A_286 : vector<64x1024xi32> to vector<64x1024xf32>
    %add3A_288 = arith.addf %get3A_285, %convert_element_type3A_287 : vector<64x1024xf32>
    %swap3A_289 = arith.constant 0 : index
    %swap3A_290 = arith.constant 0 : index
    %swap3A_291 = vector.load %arg6[%swap3A_289, %swap3A_290] : memref<64x1024xf32, #tpu.memory_space<vmem>>, vector<64x1024xf32>
    tpu.vector_store %arg6[%swap3A_289, %swap3A_290], %add3A_288 {strides = array<i32>} : memref<64x1024xf32, #tpu.memory_space<vmem>>, vector<64x1024xf32>,
    %get3A_292 = arith.constant 0 : index
    %get3A_293 = arith.constant 0 : index
    %get3A_294 = vector.load %arg7[%get3A_292, %get3A_293] : memref<64x1024xf32, #tpu.memory_space<vmem>>, vector<64x1024xf32>
    %jit3A_295 = arith.constant 0.000000e+00 : f32
    %broadcast_in_dim3A_296 = vector.broadcast %jit3A_295 : f32 to vector<64x1024xf32>
    %select_n3A_297 = arith.select %gt3A_282, %select_n3A_275, %broadcast_in_dim3A_296 : vector<64x1024xi1>, vector<64x1024xf32>
    %add3A_298 = arith.addf %get3A_294, %select_n3A_297 : vector<64x1024xf32>
    %swap3A_299 = arith.constant 0 : index
    %swap3A_300 = arith.constant 0 : index
    %swap3A_301 = vector.load %arg7[%swap3A_299, %swap3A_300] : memref<64x1024xf32, #tpu.memory_space<vmem>>, vector<64x1024xf32>
    tpu.vector_store %arg7[%swap3A_299, %swap3A_300], %add3A_298 {strides = array<i32>} : memref<64x1024xf32, #tpu.memory_space<vmem>>, vector<64x1024xf32>,
    %get3A_302 = arith.constant 0 : index
    %get3A_303 = arith.constant 0 : index
    %get3A_304 = vector.load %arg8[%get3A_302, %get3A_303] : memref<64x1024xf32, #tpu.memory_space<vmem>>, vector<64x1024xf32>
    %convert_element_type3A_305 = arith.extui %ne3A_273 : vector<64x1024xi1> to vector<64x1024xi32>
    %convert_element_type3A_306 = arith.sitofp %convert_element_type3A_305 : vector<64x1024xi32> to vector<64x1024xf32>
    %add3A_307 = arith.addf %get3A_304, %convert_element_type3A_306 : vector<64x1024xf32>
    %swap3A_308 = arith.constant 0 : index
    %swap3A_309 = arith.constant 0 : index
    %swap3A_310 = vector.load %arg8[%swap3A_308, %swap3A_309] : memref<64x1024xf32, #tpu.memory_space<vmem>>, vector<64x1024xf32>
    tpu.vector_store %arg8[%swap3A_308, %swap3A_309], %add3A_307 {strides = array<i32>} : memref<64x1024xf32, #tpu.memory_space<vmem>>, vector<64x1024xf32>,
    %slice3A_311 = vector.extract_strided_slice %get3A_3 {offsets = [64, 0], sizes = [64, 1024], strides = [1, 1]} : vector<128x1024xi32> to vector<64x1024xi32>
    %broadcast_in_dim3A_312 = arith.constant 0.000000e+00 : f32
    %broadcast_in_dim3A_313 = vector.broadcast %broadcast_in_dim3A_312 : f32 to vector<64x1024xf32>
    %broadcast_in_dim3A_314 = arith.constant 0.000000e+00 : f32
    %broadcast_in_dim3A_315 = vector.broadcast %broadcast_in_dim3A_314 : f32 to vector<64x1024xf32>
    %get3A_316 = arith.constant 0 : index
    %get3A_317 = arith.constant 0 : index
    %get3A_318 = arith.constant 0 : index
    %get3A_319 = arith.constant 0 : index
    %get3A_320 = arith.constant 0 : index
    %get3A_321 = arith.constant 0 : index
    %get3A_322 = vector.load %arg2[%get3A_316, %get3A_317, %get3A_318, %get3A_319, %get3A_320, %get3A_321] : memref<1x19x1x1x64x1024xf32, #tpu.memory_space<vmem>>, vector<1x1x1x1x64x1024xf32>
    %get3A_323 = vector.shape_cast %get3A_322 : vector<1x1x1x1x64x1024xf32> to vector<64x1024xf32>
    %exp3A_324 = math.exp %get3A_323 : vector<64x1024xf32>
    %add3A_325 = arith.addf %broadcast_in_dim3A_313, %exp3A_324 : vector<64x1024xf32>
    %eq3A_326 = arith.constant 0 : i32
    %eq3A_327 = vector.broadcast %eq3A_326 : i32 to vector<64x1024xi32>
    %eq3A_328 = arith.cmpi eq, %slice3A_311, %eq3A_327 : vector<64x1024xi32>
    %select_n3A_329 = arith.select %eq3A_328, %get3A_323, %broadcast_in_dim3A_315 : vector<64x1024xi1>, vector<64x1024xf32>
    %get3A_330 = arith.constant 0 : index
    %get3A_331 = arith.constant 1 : index
    %get3A_332 = arith.constant 0 : index
    %get3A_333 = arith.constant 0 : index
    %get3A_334 = arith.constant 0 : index
    %get3A_335 = arith.constant 0 : index
    %get3A_336 = vector.load %arg2[%get3A_330, %get3A_331, %get3A_332, %get3A_333, %get3A_334, %get3A_335] : memref<1x19x1x1x64x1024xf32, #tpu.memory_space<vmem>>, vector<1x1x1x1x64x1024xf32>
    %get3A_337 = vector.shape_cast %get3A_336 : vector<1x1x1x1x64x1024xf32> to vector<64x1024xf32>
    %exp3A_338 = math.exp %get3A_337 : vector<64x1024xf32>
    %add3A_339 = arith.addf %add3A_325, %exp3A_338 : vector<64x1024xf32>
    %eq3A_340 = arith.constant 1 : i32
    %eq3A_341 = vector.broadcast %eq3A_340 : i32 to vector<64x1024xi32>
    %eq3A_342 = arith.cmpi eq, %slice3A_311, %eq3A_341 : vector<64x1024xi32>
    %select_n3A_343 = arith.select %eq3A_342, %get3A_337, %select_n3A_329 : vector<64x1024xi1>, vector<64x1024xf32>
    %get3A_344 = arith.constant 0 : index
    %get3A_345 = arith.constant 2 : index
    %get3A_346 = arith.constant 0 : index
    %get3A_347 = arith.constant 0 : index
    %get3A_348 = arith.constant 0 : index
    %get3A_349 = arith.constant 0 : index
    %get3A_350 = vector.load %arg2[%get3A_344, %get3A_345, %get3A_346, %get3A_347, %get3A_348, %get3A_349] : memref<1x19x1x1x64x1024xf32, #tpu.memory_space<vmem>>, vector<1x1x1x1x64x1024xf32>
    %get3A_351 = vector.shape_cast %get3A_350 : vector<1x1x1x1x64x1024xf32> to vector<64x1024xf32>
    %exp3A_352 = math.exp %get3A_351 : vector<64x1024xf32>
    %add3A_353 = arith.addf %add3A_339, %exp3A_352 : vector<64x1024xf32>
    %eq3A_354 = arith.constant 2 : i32
    %eq3A_355 = vector.broadcast %eq3A_354 : i32 to vector<64x1024xi32>
    %eq3A_356 = arith.cmpi eq, %slice3A_311, %eq3A_355 : vector<64x1024xi32>
    %select_n3A_357 = arith.select %eq3A_356, %get3A_351, %select_n3A_343 : vector<64x1024xi1>, vector<64x1024xf32>
    %get3A_358 = arith.constant 0 : index
    %get3A_359 = arith.constant 3 : index
    %get3A_360 = arith.constant 0 : index
    %get3A_361 = arith.constant 0 : index
    %get3A_362 = arith.constant 0 : index
    %get3A_363 = arith.constant 0 : index
    %get3A_364 = vector.load %arg2[%get3A_358, %get3A_359, %get3A_360, %get3A_361, %get3A_362, %get3A_363] : memref<1x19x1x1x64x1024xf32, #tpu.memory_space<vmem>>, vector<1x1x1x1x64x1024xf32>
    %get3A_365 = vector.shape_cast %get3A_364 : vector<1x1x1x1x64x1024xf32> to vector<64x1024xf32>
    %exp3A_366 = math.exp %get3A_365 : vector<64x1024xf32>
    %add3A_367 = arith.addf %add3A_353, %exp3A_366 : vector<64x1024xf32>
    %eq3A_368 = arith.constant 3 : i32
    %eq3A_369 = vector.broadcast %eq3A_368 : i32 to vector<64x1024xi32>
    %eq3A_370 = arith.cmpi eq, %slice3A_311, %eq3A_369 : vector<64x1024xi32>
    %select_n3A_371 = arith.select %eq3A_370, %get3A_365, %select_n3A_357 : vector<64x1024xi1>, vector<64x1024xf32>
    %get3A_372 = arith.constant 0 : index
    %get3A_373 = arith.constant 4 : index
    %get3A_374 = arith.constant 0 : index
    %get3A_375 = arith.constant 0 : index
    %get3A_376 = arith.constant 0 : index
    %get3A_377 = arith.constant 0 : index
    %get3A_378 = vector.load %arg2[%get3A_372, %get3A_373, %get3A_374, %get3A_375, %get3A_376, %get3A_377] : memref<1x19x1x1x64x1024xf32, #tpu.memory_space<vmem>>, vector<1x1x1x1x64x1024xf32>
    %get3A_379 = vector.shape_cast %get3A_378 : vector<1x1x1x1x64x1024xf32> to vector<64x1024xf32>
    %exp3A_380 = math.exp %get3A_379 : vector<64x1024xf32>
    %add3A_381 = arith.addf %add3A_367, %exp3A_380 : vector<64x1024xf32>
    %eq3A_382 = arith.constant 4 : i32
    %eq3A_383 = vector.broadcast %eq3A_382 : i32 to vector<64x1024xi32>
    %eq3A_384 = arith.cmpi eq, %slice3A_311, %eq3A_383 : vector<64x1024xi32>
    %select_n3A_385 = arith.select %eq3A_384, %get3A_379, %select_n3A_371 : vector<64x1024xi1>, vector<64x1024xf32>
    %get3A_386 = arith.constant 0 : index
    %get3A_387 = arith.constant 5 : index
    %get3A_388 = arith.constant 0 : index
    %get3A_389 = arith.constant 0 : index
    %get3A_390 = arith.constant 0 : index
    %get3A_391 = arith.constant 0 : index
    %get3A_392 = vector.load %arg2[%get3A_386, %get3A_387, %get3A_388, %get3A_389, %get3A_390, %get3A_391] : memref<1x19x1x1x64x1024xf32, #tpu.memory_space<vmem>>, vector<1x1x1x1x64x1024xf32>
    %get3A_393 = vector.shape_cast %get3A_392 : vector<1x1x1x1x64x1024xf32> to vector<64x1024xf32>
    %exp3A_394 = math.exp %get3A_393 : vector<64x1024xf32>
    %add3A_395 = arith.addf %add3A_381, %exp3A_394 : vector<64x1024xf32>
    %eq3A_396 = arith.constant 5 : i32
    %eq3A_397 = vector.broadcast %eq3A_396 : i32 to vector<64x1024xi32>
    %eq3A_398 = arith.cmpi eq, %slice3A_311, %eq3A_397 : vector<64x1024xi32>
    %select_n3A_399 = arith.select %eq3A_398, %get3A_393, %select_n3A_385 : vector<64x1024xi1>, vector<64x1024xf32>
    %get3A_400 = arith.constant 0 : index
    %get3A_401 = arith.constant 6 : index
    %get3A_402 = arith.constant 0 : index
    %get3A_403 = arith.constant 0 : index
    %get3A_404 = arith.constant 0 : index
    %get3A_405 = arith.constant 0 : index
    %get3A_406 = vector.load %arg2[%get3A_400, %get3A_401, %get3A_402, %get3A_403, %get3A_404, %get3A_405] : memref<1x19x1x1x64x1024xf32, #tpu.memory_space<vmem>>, vector<1x1x1x1x64x1024xf32>
    %get3A_407 = vector.shape_cast %get3A_406 : vector<1x1x1x1x64x1024xf32> to vector<64x1024xf32>
    %exp3A_408 = math.exp %get3A_407 : vector<64x1024xf32>
    %add3A_409 = arith.addf %add3A_395, %exp3A_408 : vector<64x1024xf32>
    %eq3A_410 = arith.constant 6 : i32
    %eq3A_411 = vector.broadcast %eq3A_410 : i32 to vector<64x1024xi32>
    %eq3A_412 = arith.cmpi eq, %slice3A_311, %eq3A_411 : vector<64x1024xi32>
    %select_n3A_413 = arith.select %eq3A_412, %get3A_407, %select_n3A_399 : vector<64x1024xi1>, vector<64x1024xf32>
    %get3A_414 = arith.constant 0 : index
    %get3A_415 = arith.constant 7 : index
    %get3A_416 = arith.constant 0 : index
    %get3A_417 = arith.constant 0 : index
    %get3A_418 = arith.constant 0 : index
    %get3A_419 = arith.constant 0 : index
    %get3A_420 = vector.load %arg2[%get3A_414, %get3A_415, %get3A_416, %get3A_417, %get3A_418, %get3A_419] : memref<1x19x1x1x64x1024xf32, #tpu.memory_space<vmem>>, vector<1x1x1x1x64x1024xf32>
    %get3A_421 = vector.shape_cast %get3A_420 : vector<1x1x1x1x64x1024xf32> to vector<64x1024xf32>
    %exp3A_422 = math.exp %get3A_421 : vector<64x1024xf32>
    %add3A_423 = arith.addf %add3A_409, %exp3A_422 : vector<64x1024xf32>
    %eq3A_424 = arith.constant 7 : i32
    %eq3A_425 = vector.broadcast %eq3A_424 : i32 to vector<64x1024xi32>
    %eq3A_426 = arith.cmpi eq, %slice3A_311, %eq3A_425 : vector<64x1024xi32>
    %select_n3A_427 = arith.select %eq3A_426, %get3A_421, %select_n3A_413 : vector<64x1024xi1>, vector<64x1024xf32>
    %get3A_428 = arith.constant 0 : index
    %get3A_429 = arith.constant 8 : index
    %get3A_430 = arith.constant 0 : index
    %get3A_431 = arith.constant 0 : index
    %get3A_432 = arith.constant 0 : index
    %get3A_433 = arith.constant 0 : index
    %get3A_434 = vector.load %arg2[%get3A_428, %get3A_429, %get3A_430, %get3A_431, %get3A_432, %get3A_433] : memref<1x19x1x1x64x1024xf32, #tpu.memory_space<vmem>>, vector<1x1x1x1x64x1024xf32>
    %get3A_435 = vector.shape_cast %get3A_434 : vector<1x1x1x1x64x1024xf32> to vector<64x1024xf32>
    %exp3A_436 = math.exp %get3A_435 : vector<64x1024xf32>
    %add3A_437 = arith.addf %add3A_423, %exp3A_436 : vector<64x1024xf32>
    %eq3A_438 = arith.constant 8 : i32
    %eq3A_439 = vector.broadcast %eq3A_438 : i32 to vector<64x1024xi32>
    %eq3A_440 = arith.cmpi eq, %slice3A_311, %eq3A_439 : vector<64x1024xi32>
    %select_n3A_441 = arith.select %eq3A_440, %get3A_435, %select_n3A_427 : vector<64x1024xi1>, vector<64x1024xf32>
    %get3A_442 = arith.constant 0 : index
    %get3A_443 = arith.constant 9 : index
    %get3A_444 = arith.constant 0 : index
    %get3A_445 = arith.constant 0 : index
    %get3A_446 = arith.constant 0 : index
    %get3A_447 = arith.constant 0 : index
    %get3A_448 = vector.load %arg2[%get3A_442, %get3A_443, %get3A_444, %get3A_445, %get3A_446, %get3A_447] : memref<1x19x1x1x64x1024xf32, #tpu.memory_space<vmem>>, vector<1x1x1x1x64x1024xf32>
    %get3A_449 = vector.shape_cast %get3A_448 : vector<1x1x1x1x64x1024xf32> to vector<64x1024xf32>
    %exp3A_450 = math.exp %get3A_449 : vector<64x1024xf32>
    %add3A_451 = arith.addf %add3A_437, %exp3A_450 : vector<64x1024xf32>
    %eq3A_452 = arith.constant 9 : i32
    %eq3A_453 = vector.broadcast %eq3A_452 : i32 to vector<64x1024xi32>
    %eq3A_454 = arith.cmpi eq, %slice3A_311, %eq3A_453 : vector<64x1024xi32>
    %select_n3A_455 = arith.select %eq3A_454, %get3A_449, %select_n3A_441 : vector<64x1024xi1>, vector<64x1024xf32>
    %get3A_456 = arith.constant 0 : index
    %get3A_457 = arith.constant 10 : index
    %get3A_458 = arith.constant 0 : index
    %get3A_459 = arith.constant 0 : index
    %get3A_460 = arith.constant 0 : index
    %get3A_461 = arith.constant 0 : index
    %get3A_462 = vector.load %arg2[%get3A_456, %get3A_457, %get3A_458, %get3A_459, %get3A_460, %get3A_461] : memref<1x19x1x1x64x1024xf32, #tpu.memory_space<vmem>>, vector<1x1x1x1x64x1024xf32>
    %get3A_463 = vector.shape_cast %get3A_462 : vector<1x1x1x1x64x1024xf32> to vector<64x1024xf32>
    %exp3A_464 = math.exp %get3A_463 : vector<64x1024xf32>
    %add3A_465 = arith.addf %add3A_451, %exp3A_464 : vector<64x1024xf32>
    %eq3A_466 = arith.constant 10 : i32
    %eq3A_467 = vector.broadcast %eq3A_466 : i32 to vector<64x1024xi32>
    %eq3A_468 = arith.cmpi eq, %slice3A_311, %eq3A_467 : vector<64x1024xi32>
    %select_n3A_469 = arith.select %eq3A_468, %get3A_463, %select_n3A_455 : vector<64x1024xi1>, vector<64x1024xf32>
    %get3A_470 = arith.constant 0 : index
    %get3A_471 = arith.constant 11 : index
    %get3A_472 = arith.constant 0 : index
    %get3A_473 = arith.constant 0 : index
    %get3A_474 = arith.constant 0 : index
    %get3A_475 = arith.constant 0 : index
    %get3A_476 = vector.load %arg2[%get3A_470, %get3A_471, %get3A_472, %get3A_473, %get3A_474, %get3A_475] : memref<1x19x1x1x64x1024xf32, #tpu.memory_space<vmem>>, vector<1x1x1x1x64x1024xf32>
    %get3A_477 = vector.shape_cast %get3A_476 : vector<1x1x1x1x64x1024xf32> to vector<64x1024xf32>
    %exp3A_478 = math.exp %get3A_477 : vector<64x1024xf32>
    %add3A_479 = arith.addf %add3A_465, %exp3A_478 : vector<64x1024xf32>
    %eq3A_480 = arith.constant 11 : i32
    %eq3A_481 = vector.broadcast %eq3A_480 : i32 to vector<64x1024xi32>
    %eq3A_482 = arith.cmpi eq, %slice3A_311, %eq3A_481 : vector<64x1024xi32>
    %select_n3A_483 = arith.select %eq3A_482, %get3A_477, %select_n3A_469 : vector<64x1024xi1>, vector<64x1024xf32>
    %get3A_484 = arith.constant 0 : index
    %get3A_485 = arith.constant 12 : index
    %get3A_486 = arith.constant 0 : index
    %get3A_487 = arith.constant 0 : index
    %get3A_488 = arith.constant 0 : index
    %get3A_489 = arith.constant 0 : index
    %get3A_490 = vector.load %arg2[%get3A_484, %get3A_485, %get3A_486, %get3A_487, %get3A_488, %get3A_489] : memref<1x19x1x1x64x1024xf32, #tpu.memory_space<vmem>>, vector<1x1x1x1x64x1024xf32>
    %get3A_491 = vector.shape_cast %get3A_490 : vector<1x1x1x1x64x1024xf32> to vector<64x1024xf32>
    %exp3A_492 = math.exp %get3A_491 : vector<64x1024xf32>
    %add3A_493 = arith.addf %add3A_479, %exp3A_492 : vector<64x1024xf32>
    %eq3A_494 = arith.constant 12 : i32
    %eq3A_495 = vector.broadcast %eq3A_494 : i32 to vector<64x1024xi32>
    %eq3A_496 = arith.cmpi eq, %slice3A_311, %eq3A_495 : vector<64x1024xi32>
    %select_n3A_497 = arith.select %eq3A_496, %get3A_491, %select_n3A_483 : vector<64x1024xi1>, vector<64x1024xf32>
    %get3A_498 = arith.constant 0 : index
    %get3A_499 = arith.constant 13 : index
    %get3A_500 = arith.constant 0 : index
    %get3A_501 = arith.constant 0 : index
    %get3A_502 = arith.constant 0 : index
    %get3A_503 = arith.constant 0 : index
    %get3A_504 = vector.load %arg2[%get3A_498, %get3A_499, %get3A_500, %get3A_501, %get3A_502, %get3A_503] : memref<1x19x1x1x64x1024xf32, #tpu.memory_space<vmem>>, vector<1x1x1x1x64x1024xf32>
    %get3A_505 = vector.shape_cast %get3A_504 : vector<1x1x1x1x64x1024xf32> to vector<64x1024xf32>
    %exp3A_506 = math.exp %get3A_505 : vector<64x1024xf32>
    %add3A_507 = arith.addf %add3A_493, %exp3A_506 : vector<64x1024xf32>
    %eq3A_508 = arith.constant 13 : i32
    %eq3A_509 = vector.broadcast %eq3A_508 : i32 to vector<64x1024xi32>
    %eq3A_510 = arith.cmpi eq, %slice3A_311, %eq3A_509 : vector<64x1024xi32>
    %select_n3A_511 = arith.select %eq3A_510, %get3A_505, %select_n3A_497 : vector<64x1024xi1>, vector<64x1024xf32>
    %get3A_512 = arith.constant 0 : index
    %get3A_513 = arith.constant 14 : index
    %get3A_514 = arith.constant 0 : index
    %get3A_515 = arith.constant 0 : index
    %get3A_516 = arith.constant 0 : index
    %get3A_517 = arith.constant 0 : index
    %get3A_518 = vector.load %arg2[%get3A_512, %get3A_513, %get3A_514, %get3A_515, %get3A_516, %get3A_517] : memref<1x19x1x1x64x1024xf32, #tpu.memory_space<vmem>>, vector<1x1x1x1x64x1024xf32>
    %get3A_519 = vector.shape_cast %get3A_518 : vector<1x1x1x1x64x1024xf32> to vector<64x1024xf32>
    %exp3A_520 = math.exp %get3A_519 : vector<64x1024xf32>
    %add3A_521 = arith.addf %add3A_507, %exp3A_520 : vector<64x1024xf32>
    %eq3A_522 = arith.constant 14 : i32
    %eq3A_523 = vector.broadcast %eq3A_522 : i32 to vector<64x1024xi32>
    %eq3A_524 = arith.cmpi eq, %slice3A_311, %eq3A_523 : vector<64x1024xi32>
    %select_n3A_525 = arith.select %eq3A_524, %get3A_519, %select_n3A_511 : vector<64x1024xi1>, vector<64x1024xf32>
    %get3A_526 = arith.constant 0 : index
    %get3A_527 = arith.constant 15 : index
    %get3A_528 = arith.constant 0 : index
    %get3A_529 = arith.constant 0 : index
    %get3A_530 = arith.constant 0 : index
    %get3A_531 = arith.constant 0 : index
    %get3A_532 = vector.load %arg2[%get3A_526, %get3A_527, %get3A_528, %get3A_529, %get3A_530, %get3A_531] : memref<1x19x1x1x64x1024xf32, #tpu.memory_space<vmem>>, vector<1x1x1x1x64x1024xf32>
    %get3A_533 = vector.shape_cast %get3A_532 : vector<1x1x1x1x64x1024xf32> to vector<64x1024xf32>
    %exp3A_534 = math.exp %get3A_533 : vector<64x1024xf32>
    %add3A_535 = arith.addf %add3A_521, %exp3A_534 : vector<64x1024xf32>
    %eq3A_536 = arith.constant 15 : i32
    %eq3A_537 = vector.broadcast %eq3A_536 : i32 to vector<64x1024xi32>
    %eq3A_538 = arith.cmpi eq, %slice3A_311, %eq3A_537 : vector<64x1024xi32>
    %select_n3A_539 = arith.select %eq3A_538, %get3A_533, %select_n3A_525 : vector<64x1024xi1>, vector<64x1024xf32>
    %get3A_540 = arith.constant 0 : index
    %get3A_541 = arith.constant 16 : index
    %get3A_542 = arith.constant 0 : index
    %get3A_543 = arith.constant 0 : index
    %get3A_544 = arith.constant 0 : index
    %get3A_545 = arith.constant 0 : index
    %get3A_546 = vector.load %arg2[%get3A_540, %get3A_541, %get3A_542, %get3A_543, %get3A_544, %get3A_545] : memref<1x19x1x1x64x1024xf32, #tpu.memory_space<vmem>>, vector<1x1x1x1x64x1024xf32>
    %get3A_547 = vector.shape_cast %get3A_546 : vector<1x1x1x1x64x1024xf32> to vector<64x1024xf32>
    %exp3A_548 = math.exp %get3A_547 : vector<64x1024xf32>
    %add3A_549 = arith.addf %add3A_535, %exp3A_548 : vector<64x1024xf32>
    %eq3A_550 = arith.constant 16 : i32
    %eq3A_551 = vector.broadcast %eq3A_550 : i32 to vector<64x1024xi32>
    %eq3A_552 = arith.cmpi eq, %slice3A_311, %eq3A_551 : vector<64x1024xi32>
    %select_n3A_553 = arith.select %eq3A_552, %get3A_547, %select_n3A_539 : vector<64x1024xi1>, vector<64x1024xf32>
    %get3A_554 = arith.constant 0 : index
    %get3A_555 = arith.constant 17 : index
    %get3A_556 = arith.constant 0 : index
    %get3A_557 = arith.constant 0 : index
    %get3A_558 = arith.constant 0 : index
    %get3A_559 = arith.constant 0 : index
    %get3A_560 = vector.load %arg2[%get3A_554, %get3A_555, %get3A_556, %get3A_557, %get3A_558, %get3A_559] : memref<1x19x1x1x64x1024xf32, #tpu.memory_space<vmem>>, vector<1x1x1x1x64x1024xf32>
    %get3A_561 = vector.shape_cast %get3A_560 : vector<1x1x1x1x64x1024xf32> to vector<64x1024xf32>
    %exp3A_562 = math.exp %get3A_561 : vector<64x1024xf32>
    %add3A_563 = arith.addf %add3A_549, %exp3A_562 : vector<64x1024xf32>
    %eq3A_564 = arith.constant 17 : i32
    %eq3A_565 = vector.broadcast %eq3A_564 : i32 to vector<64x1024xi32>
    %eq3A_566 = arith.cmpi eq, %slice3A_311, %eq3A_565 : vector<64x1024xi32>
    %select_n3A_567 = arith.select %eq3A_566, %get3A_561, %select_n3A_553 : vector<64x1024xi1>, vector<64x1024xf32>
    %get3A_568 = arith.constant 0 : index
    %get3A_569 = arith.constant 18 : index
    %get3A_570 = arith.constant 0 : index
    %get3A_571 = arith.constant 0 : index
    %get3A_572 = arith.constant 0 : index
    %get3A_573 = arith.constant 0 : index
    %get3A_574 = vector.load %arg2[%get3A_568, %get3A_569, %get3A_570, %get3A_571, %get3A_572, %get3A_573] : memref<1x19x1x1x64x1024xf32, #tpu.memory_space<vmem>>, vector<1x1x1x1x64x1024xf32>
    %get3A_575 = vector.shape_cast %get3A_574 : vector<1x1x1x1x64x1024xf32> to vector<64x1024xf32>
    %exp3A_576 = math.exp %get3A_575 : vector<64x1024xf32>
    %add3A_577 = arith.addf %add3A_563, %exp3A_576 : vector<64x1024xf32>
    %eq3A_578 = arith.constant 18 : i32
    %eq3A_579 = vector.broadcast %eq3A_578 : i32 to vector<64x1024xi32>
    %eq3A_580 = arith.cmpi eq, %slice3A_311, %eq3A_579 : vector<64x1024xi32>
    %select_n3A_581 = arith.select %eq3A_580, %get3A_575, %select_n3A_567 : vector<64x1024xi1>, vector<64x1024xf32>
    %ne3A_582 = arith.constant 255 : i32
    %ne3A_583 = vector.broadcast %ne3A_582 : i32 to vector<64x1024xi32>
    %ne3A_584 = arith.cmpi ne, %slice3A_311, %ne3A_583 : vector<64x1024xi32>
    %log3A_585 = math.log %add3A_577 : vector<64x1024xf32>
    %sub3A_586 = arith.subf %log3A_585, %select_n3A_581 : vector<64x1024xf32>
    %jit3A_587 = arith.constant 0.000000e+00 : f32
    %broadcast_in_dim3A_588 = vector.broadcast %jit3A_587 : f32 to vector<64x1024xf32>
    %select_n3A_589 = arith.select %ne3A_584, %sub3A_586, %broadcast_in_dim3A_588 : vector<64x1024xi1>, vector<64x1024xf32>
    %swap3A_590 = arith.constant 0 : index
    %swap3A_591 = arith.constant 64 : index
    %swap3A_592 = arith.constant 0 : index
    %swap3A_593 = vector.load %arg4[%swap3A_590, %swap3A_591, %swap3A_592] : memref<1x128x1024xf32, #tpu.memory_space<vmem>>, vector<1x64x1024xf32>
    %swap3A_594 = vector.shape_cast %swap3A_593 : vector<1x64x1024xf32> to vector<64x1024xf32>
    %swap3A_595 = vector.shape_cast %select_n3A_589 : vector<64x1024xf32> to vector<1x64x1024xf32>
    tpu.vector_store %arg4[%swap3A_590, %swap3A_591, %swap3A_592], %swap3A_595 {strides = array<i32>} : memref<1x128x1024xf32, #tpu.memory_space<vmem>>, vector<1x64x1024xf32>,
    %gt3A_596 = arith.constant 0.356674939 : f32
    %gt3A_597 = vector.broadcast %gt3A_596 : f32 to vector<64x1024xf32>
    %gt3A_598 = arith.cmpf ogt, %select_n3A_589, %gt3A_597 : vector<64x1024xf32>
    %get3A_599 = arith.constant 0 : index
    %get3A_600 = arith.constant 0 : index
    %get3A_601 = vector.load %arg6[%get3A_599, %get3A_600] : memref<64x1024xf32, #tpu.memory_space<vmem>>, vector<64x1024xf32>
    %convert_element_type3A_602 = arith.extui %gt3A_598 : vector<64x1024xi1> to vector<64x1024xi32>
    %convert_element_type3A_603 = arith.sitofp %convert_element_type3A_602 : vector<64x1024xi32> to vector<64x1024xf32>
    %add3A_604 = arith.addf %get3A_601, %convert_element_type3A_603 : vector<64x1024xf32>
    %swap3A_605 = arith.constant 0 : index
    %swap3A_606 = arith.constant 0 : index
    %swap3A_607 = vector.load %arg6[%swap3A_605, %swap3A_606] : memref<64x1024xf32, #tpu.memory_space<vmem>>, vector<64x1024xf32>
    tpu.vector_store %arg6[%swap3A_605, %swap3A_606], %add3A_604 {strides = array<i32>} : memref<64x1024xf32, #tpu.memory_space<vmem>>, vector<64x1024xf32>,
    %get3A_608 = arith.constant 0 : index
    %get3A_609 = arith.constant 0 : index
    %get3A_610 = vector.load %arg7[%get3A_608, %get3A_609] : memref<64x1024xf32, #tpu.memory_space<vmem>>, vector<64x1024xf32>
    %jit3A_611 = arith.constant 0.000000e+00 : f32
    %broadcast_in_dim3A_612 = vector.broadcast %jit3A_611 : f32 to vector<64x1024xf32>
    %select_n3A_613 = arith.select %gt3A_598, %select_n3A_589, %broadcast_in_dim3A_612 : vector<64x1024xi1>, vector<64x1024xf32>
    %add3A_614 = arith.addf %get3A_610, %select_n3A_613 : vector<64x1024xf32>
    %swap3A_615 = arith.constant 0 : index
    %swap3A_616 = arith.constant 0 : index
    %swap3A_617 = vector.load %arg7[%swap3A_615, %swap3A_616] : memref<64x1024xf32, #tpu.memory_space<vmem>>, vector<64x1024xf32>
    tpu.vector_store %arg7[%swap3A_615, %swap3A_616], %add3A_614 {strides = array<i32>} : memref<64x1024xf32, #tpu.memory_space<vmem>>, vector<64x1024xf32>,
    %get3A_618 = arith.constant 0 : index
    %get3A_619 = arith.constant 0 : index
    %get3A_620 = vector.load %arg8[%get3A_618, %get3A_619] : memref<64x1024xf32, #tpu.memory_space<vmem>>, vector<64x1024xf32>
    %convert_element_type3A_621 = arith.extui %ne3A_584 : vector<64x1024xi1> to vector<64x1024xi32>
    %convert_element_type3A_622 = arith.sitofp %convert_element_type3A_621 : vector<64x1024xi32> to vector<64x1024xf32>
    %add3A_623 = arith.addf %get3A_620, %convert_element_type3A_622 : vector<64x1024xf32>
    %swap3A_624 = arith.constant 0 : index
    %swap3A_625 = arith.constant 0 : index
    %swap3A_626 = vector.load %arg8[%swap3A_624, %swap3A_625] : memref<64x1024xf32, #tpu.memory_space<vmem>>, vector<64x1024xf32>
    tpu.vector_store %arg8[%swap3A_624, %swap3A_625], %add3A_623 {strides = array<i32>} : memref<64x1024xf32, #tpu.memory_space<vmem>>, vector<64x1024xf32>,
    %eq3A_627 = arith.constant 11 : i32
    %eq3A_628 = arith.cmpi eq, %arg0, %eq3A_627 : i32
    %convert_element_type3A_629 = arith.extui %eq3A_628 : i1 to i32
    %cond3A_630 = arith.constant 0 : i32
    %cond3A_631 = arith.cmpi ne, %convert_element_type3A_629, %cond3A_630 : i32
    scf.if %cond3A_631 {
      %get3A_632 = arith.constant 0 : index
      %get3A_633 = arith.constant 0 : index
      %get3A_634 = vector.load %arg6[%get3A_632, %get3A_633] : memref<64x1024xf32, #tpu.memory_space<vmem>>, vector<64x1024xf32>
      %reduce_sum3A = vector.shape_cast %get3A_634 : vector<64x1024xf32> to vector<1x64x1024xf32>
      %reduce_sum3A_635 = arith.constant dense<0.000000e+00> : vector<1xf32>
      %reduce_sum3A_636 = vector.multi_reduction <add>, %reduce_sum3A, %reduce_sum3A_635 [1, 2] : vector<1x64x1024xf32> to vector<1xf32>
      %reduce_sum3A_637 = vector.shape_cast %reduce_sum3A_636 : vector<1xf32> to vector<1x1x1xf32>
      %reduce_sum3A_638 = vector.extract %reduce_sum3A_637[0, 0, 0] : f32 from vector<1x1x1xf32>
      %swap3A_639 = arith.constant 0 : index
      %swap3A_640 = memref.load %arg5[%swap3A_639] : memref<3xf32, #tpu.memory_space<smem>>
      memref.store %reduce_sum3A_638, %arg5[%swap3A_639] : memref<3xf32, #tpu.memory_space<smem>>
      %get3A_641 = arith.constant 0 : index
      %get3A_642 = arith.constant 0 : index
      %get3A_643 = vector.load %arg7[%get3A_641, %get3A_642] : memref<64x1024xf32, #tpu.memory_space<vmem>>, vector<64x1024xf32>
      %reduce_sum3A_644 = vector.shape_cast %get3A_643 : vector<64x1024xf32> to vector<1x64x1024xf32>
      %reduce_sum3A_645 = arith.constant dense<0.000000e+00> : vector<1xf32>
      %reduce_sum3A_646 = vector.multi_reduction <add>, %reduce_sum3A_644, %reduce_sum3A_645 [1, 2] : vector<1x64x1024xf32> to vector<1xf32>
      %reduce_sum3A_647 = vector.shape_cast %reduce_sum3A_646 : vector<1xf32> to vector<1x1x1xf32>
      %reduce_sum3A_648 = vector.extract %reduce_sum3A_647[0, 0, 0] : f32 from vector<1x1x1xf32>
      %swap3A_649 = arith.constant 1 : index
      %swap3A_650 = memref.load %arg5[%swap3A_649] : memref<3xf32, #tpu.memory_space<smem>>
      memref.store %reduce_sum3A_648, %arg5[%swap3A_649] : memref<3xf32, #tpu.memory_space<smem>>
      %get3A_651 = arith.constant 0 : index
      %get3A_652 = arith.constant 0 : index
      %get3A_653 = vector.load %arg8[%get3A_651, %get3A_652] : memref<64x1024xf32, #tpu.memory_space<vmem>>, vector<64x1024xf32>
      %reduce_sum3A_654 = vector.shape_cast %get3A_653 : vector<64x1024xf32> to vector<1x64x1024xf32>
      %reduce_sum3A_655 = arith.constant dense<0.000000e+00> : vector<1xf32>
      %reduce_sum3A_656 = vector.multi_reduction <add>, %reduce_sum3A_654, %reduce_sum3A_655 [1, 2] : vector<1x64x1024xf32> to vector<1xf32>
      %reduce_sum3A_657 = vector.shape_cast %reduce_sum3A_656 : vector<1xf32> to vector<1x1x1xf32>
      %reduce_sum3A_658 = vector.extract %reduce_sum3A_657[0, 0, 0] : f32 from vector<1x1x1xf32>
      %swap3A_659 = arith.constant 2 : index
      %swap3A_660 = memref.load %arg5[%swap3A_659] : memref<3xf32, #tpu.memory_space<smem>>
      memref.store %reduce_sum3A_658, %arg5[%swap3A_659] : memref<3xf32, #tpu.memory_space<smem>>
    } else {
    }
    return
  }
  func.func @transform_0(%arg0: i32) -> (i32, i32, i32, i32, i32, i32) {
    %jit3A = arith.constant 2 : i32
    %div3A = arith.divsi %arg0, %jit3A : i32
    %sign3A = arith.constant 0 : i32
    %sign3A_0 = arith.cmpi sgt, %arg0, %sign3A : i32
    %sign3A_1 = arith.extui %sign3A_0 : i1 to i32
    %sign3A_2 = arith.constant 0 : i32
    %sign3A_3 = arith.cmpi slt, %arg0, %sign3A_2 : i32
    %sign3A_4 = arith.extui %sign3A_3 : i1 to i32
    %sign3A_5 = arith.subi %sign3A_1, %sign3A_4 : i32
    %sign3A_6 = arith.constant 0 : i32
    %sign3A_7 = arith.cmpi sgt, %jit3A, %sign3A_6 : i32
    %sign3A_8 = arith.extui %sign3A_7 : i1 to i32
    %sign3A_9 = arith.constant 0 : i32
    %sign3A_10 = arith.cmpi slt, %jit3A, %sign3A_9 : i32
    %sign3A_11 = arith.extui %sign3A_10 : i1 to i32
    %sign3A_12 = arith.subi %sign3A_8, %sign3A_11 : i32
    %ne3A = arith.cmpi ne, %sign3A_5, %sign3A_12 : i32
    %rem3A = arith.remsi %arg0, %jit3A : i32
    %ne3A_13 = arith.constant 0 : i32
    %ne3A_14 = arith.cmpi ne, %rem3A, %ne3A_13 : i32
    %and3A = arith.andi %ne3A, %ne3A_14 : i1
    %sub3A = arith.constant 1 : i32
    %sub3A_15 = arith.subi %div3A, %sub3A : i32
    %select_n3A = arith.select %and3A, %sub3A_15, %div3A : i32
    %jit3A_16 = arith.constant 2 : i32
    %eq3A = arith.constant 0 : i32
    %eq3A_17 = arith.cmpi eq, %jit3A_16, %eq3A : i32
    %jit3A_18 = arith.constant 1 : i32
    %select_n3A_19 = arith.select %eq3A_17, %jit3A_18, %jit3A_16 : i32
    %rem3A_20 = arith.remsi %arg0, %select_n3A_19 : i32
    %ne3A_21 = arith.constant 0 : i32
    %ne3A_22 = arith.cmpi ne, %rem3A_20, %ne3A_21 : i32
    %lt3A = arith.constant 0 : i32
    %lt3A_23 = arith.cmpi slt, %rem3A_20, %lt3A : i32
    %lt3A_24 = arith.constant 0 : i32
    %lt3A_25 = arith.cmpi slt, %select_n3A_19, %lt3A_24 : i32
    %ne3A_26 = arith.xori %lt3A_23, %lt3A_25 : i1
    %and3A_27 = arith.andi %ne3A_26, %ne3A_22 : i1
    %add3A = arith.addi %rem3A_20, %select_n3A_19 : i32
    %select_n3A_28 = arith.select %and3A_27, %add3A, %rem3A_20 : i32
    %c0_i32 = arith.constant 0 : i32
    %c0_i32_29 = arith.constant 0 : i32
    %c0_i32_30 = arith.constant 0 : i32
    %c0_i32_31 = arith.constant 0 : i32
    %c0_i32_32 = arith.constant 0 : i32
    return %select_n3A, %c0_i32, %select_n3A_28, %c0_i32_29, %c0_i32_30, %c0_i32_31 : i32, i32, i32, i32, i32, i32
  }
  func.func @transform_1(%arg0: i32) -> (i32, i32, i32, i32, i32, i32) {
    %jit3A = arith.constant 2 : i32
    %div3A = arith.divsi %arg0, %jit3A : i32
    %sign3A = arith.constant 0 : i32
    %sign3A_0 = arith.cmpi sgt, %arg0, %sign3A : i32
    %sign3A_1 = arith.extui %sign3A_0 : i1 to i32
    %sign3A_2 = arith.constant 0 : i32
    %sign3A_3 = arith.cmpi slt, %arg0, %sign3A_2 : i32
    %sign3A_4 = arith.extui %sign3A_3 : i1 to i32
    %sign3A_5 = arith.subi %sign3A_1, %sign3A_4 : i32
    %sign3A_6 = arith.constant 0 : i32
    %sign3A_7 = arith.cmpi sgt, %jit3A, %sign3A_6 : i32
    %sign3A_8 = arith.extui %sign3A_7 : i1 to i32
    %sign3A_9 = arith.constant 0 : i32
    %sign3A_10 = arith.cmpi slt, %jit3A, %sign3A_9 : i32
    %sign3A_11 = arith.extui %sign3A_10 : i1 to i32
    %sign3A_12 = arith.subi %sign3A_8, %sign3A_11 : i32
    %ne3A = arith.cmpi ne, %sign3A_5, %sign3A_12 : i32
    %rem3A = arith.remsi %arg0, %jit3A : i32
    %ne3A_13 = arith.constant 0 : i32
    %ne3A_14 = arith.cmpi ne, %rem3A, %ne3A_13 : i32
    %and3A = arith.andi %ne3A, %ne3A_14 : i1
    %sub3A = arith.constant 1 : i32
    %sub3A_15 = arith.subi %div3A, %sub3A : i32
    %select_n3A = arith.select %and3A, %sub3A_15, %div3A : i32
    %jit3A_16 = arith.constant 2 : i32
    %eq3A = arith.constant 0 : i32
    %eq3A_17 = arith.cmpi eq, %jit3A_16, %eq3A : i32
    %jit3A_18 = arith.constant 1 : i32
    %select_n3A_19 = arith.select %eq3A_17, %jit3A_18, %jit3A_16 : i32
    %rem3A_20 = arith.remsi %arg0, %select_n3A_19 : i32
    %ne3A_21 = arith.constant 0 : i32
    %ne3A_22 = arith.cmpi ne, %rem3A_20, %ne3A_21 : i32
    %lt3A = arith.constant 0 : i32
    %lt3A_23 = arith.cmpi slt, %rem3A_20, %lt3A : i32
    %lt3A_24 = arith.constant 0 : i32
    %lt3A_25 = arith.cmpi slt, %select_n3A_19, %lt3A_24 : i32
    %ne3A_26 = arith.xori %lt3A_23, %lt3A_25 : i1
    %and3A_27 = arith.andi %ne3A_26, %ne3A_22 : i1
    %add3A = arith.addi %rem3A_20, %select_n3A_19 : i32
    %select_n3A_28 = arith.select %and3A_27, %add3A, %rem3A_20 : i32
    %c0_i32 = arith.constant 0 : i32
    %c1_i32 = arith.constant 1 : i32
    %c0_i32_29 = arith.constant 0 : i32
    %c0_i32_30 = arith.constant 0 : i32
    %c0_i32_31 = arith.constant 0 : i32
    return %select_n3A, %c0_i32, %select_n3A_28, %c1_i32, %c0_i32_29, %c0_i32_30 : i32, i32, i32, i32, i32, i32
  }
  func.func @transform_2(%arg0: i32) -> (i32, i32, i32) {
    %c0_i32 = arith.constant 0 : i32
    %c0_i32_0 = arith.constant 0 : i32
    %c0_i32_1 = arith.constant 0 : i32
    return %arg0, %c0_i32, %c0_i32_0 : i32, i32, i32
  }
  func.func @transform_3(%arg0: i32) -> (i32, i32, i32) {
    %c0_i32 = arith.constant 0 : i32
    %c0_i32_0 = arith.constant 0 : i32
    %c0_i32_1 = arith.constant 0 : i32
    return %arg0, %c0_i32, %c0_i32_0 : i32, i32, i32
  }
  func.func @transform_4(%arg0: i32) -> i32 {
    %c0_i32 = arith.constant 0 : i32
    %c0_i32_0 = arith.constant 0 : i32
    return %c0_i32 : i32
  }
}

module attributes {stable_mosaic.version = 14 : i64} {
  func.func @_fin_body(%arg0: memref<32x64xf32, #tpu.memory_space<vmem>>, %arg1: memref<3xf32, #tpu.memory_space<smem>>, %arg2: memref<12x128x1024xf32, #tpu.memory_space<any>>, %arg3: memref<4x128x1024xf32, #tpu.memory_space<any>>, %arg4: memref<1xf32, #tpu.memory_space<smem>>, %arg5: memref<16x128x1024xf32, #tpu.memory_space<vmem>>, %arg6: memref<!tpu.dma_semaphore, #tpu.memory_space<semaphore_mem>>) attributes {dimension_semantics = [], scalar_prefetch = 0 : i64, scratch_operands = 2 : i64, tpu.core_type = #tpu.core_type<tc>} {
    %get3A = arith.constant 0 : index
    %get3A_0 = arith.constant 0 : index
    %get3A_1 = vector.load %arg0[%get3A, %get3A_0] : memref<32x64xf32, #tpu.memory_space<vmem>>, vector<32x64xf32>
    %slice3A = vector.extract_strided_slice %get3A_1 {offsets = [0, 0], sizes = [32, 16], strides = [1, 1]} : vector<32x64xf32> to vector<32x16xf32>
    %reduce_sum3A = vector.shape_cast %slice3A : vector<32x16xf32> to vector<1x32x16xf32>
    %reduce_sum3A_2 = arith.constant dense<0.000000e+00> : vector<1xf32>
    %reduce_sum3A_3 = vector.multi_reduction <add>, %reduce_sum3A, %reduce_sum3A_2 [1, 2] : vector<1x32x16xf32> to vector<1xf32>
    %reduce_sum3A_4 = vector.shape_cast %reduce_sum3A_3 : vector<1xf32> to vector<1x1x1xf32>
    %reduce_sum3A_5 = vector.extract %reduce_sum3A_4[0, 0, 0] : f32 from vector<1x1x1xf32>
    %get3A_6 = arith.constant 0 : index
    %get3A_7 = memref.load %arg1[%get3A_6] : memref<3xf32, #tpu.memory_space<smem>>
    %add3A = arith.addf %reduce_sum3A_5, %get3A_7 : f32
    %slice3A_8 = vector.extract_strided_slice %get3A_1 {offsets = [0, 16], sizes = [32, 16], strides = [1, 1]} : vector<32x64xf32> to vector<32x16xf32>
    %reduce_sum3A_9 = vector.shape_cast %slice3A_8 : vector<32x16xf32> to vector<1x32x16xf32>
    %reduce_sum3A_10 = arith.constant dense<0.000000e+00> : vector<1xf32>
    %reduce_sum3A_11 = vector.multi_reduction <add>, %reduce_sum3A_9, %reduce_sum3A_10 [1, 2] : vector<1x32x16xf32> to vector<1xf32>
    %reduce_sum3A_12 = vector.shape_cast %reduce_sum3A_11 : vector<1xf32> to vector<1x1x1xf32>
    %reduce_sum3A_13 = vector.extract %reduce_sum3A_12[0, 0, 0] : f32 from vector<1x1x1xf32>
    %get3A_14 = arith.constant 1 : index
    %get3A_15 = memref.load %arg1[%get3A_14] : memref<3xf32, #tpu.memory_space<smem>>
    %add3A_16 = arith.addf %reduce_sum3A_13, %get3A_15 : f32
    %slice3A_17 = vector.extract_strided_slice %get3A_1 {offsets = [0, 32], sizes = [32, 16], strides = [1, 1]} : vector<32x64xf32> to vector<32x16xf32>
    %reduce_sum3A_18 = vector.shape_cast %slice3A_17 : vector<32x16xf32> to vector<1x32x16xf32>
    %reduce_sum3A_19 = arith.constant dense<0.000000e+00> : vector<1xf32>
    %reduce_sum3A_20 = vector.multi_reduction <add>, %reduce_sum3A_18, %reduce_sum3A_19 [1, 2] : vector<1x32x16xf32> to vector<1xf32>
    %reduce_sum3A_21 = vector.shape_cast %reduce_sum3A_20 : vector<1xf32> to vector<1x1x1xf32>
    %reduce_sum3A_22 = vector.extract %reduce_sum3A_21[0, 0, 0] : f32 from vector<1x1x1xf32>
    %get3A_23 = arith.constant 2 : index
    %get3A_24 = memref.load %arg1[%get3A_23] : memref<3xf32, #tpu.memory_space<smem>>
    %add3A_25 = arith.addf %reduce_sum3A_22, %get3A_24 : f32
    %convert_element_type3A = arith.fptosi %add3A : f32 to i32
    %convert_element_type3A_26 = arith.fptosi %add3A_25 : f32 to i32
    %jit3A = arith.constant 16 : i32
    %div3A = arith.divsi %convert_element_type3A_26, %jit3A : i32
    %sign3A = arith.constant 0 : i32
    %sign3A_27 = arith.cmpi sgt, %convert_element_type3A_26, %sign3A : i32
    %sign3A_28 = arith.extui %sign3A_27 : i1 to i32
    %sign3A_29 = arith.constant 0 : i32
    %sign3A_30 = arith.cmpi slt, %convert_element_type3A_26, %sign3A_29 : i32
    %sign3A_31 = arith.extui %sign3A_30 : i1 to i32
    %sign3A_32 = arith.subi %sign3A_28, %sign3A_31 : i32
    %sign3A_33 = arith.constant 0 : i32
    %sign3A_34 = arith.cmpi sgt, %jit3A, %sign3A_33 : i32
    %sign3A_35 = arith.extui %sign3A_34 : i1 to i32
    %sign3A_36 = arith.constant 0 : i32
    %sign3A_37 = arith.cmpi slt, %jit3A, %sign3A_36 : i32
    %sign3A_38 = arith.extui %sign3A_37 : i1 to i32
    %sign3A_39 = arith.subi %sign3A_35, %sign3A_38 : i32
    %ne3A = arith.cmpi ne, %sign3A_32, %sign3A_39 : i32
    %rem3A = arith.remsi %convert_element_type3A_26, %jit3A : i32
    %ne3A_40 = arith.constant 0 : i32
    %ne3A_41 = arith.cmpi ne, %rem3A, %ne3A_40 : i32
    %and3A = arith.andi %ne3A, %ne3A_41 : i1
    %sub3A = arith.constant 1 : i32
    %sub3A_42 = arith.subi %div3A, %sub3A : i32
    %select_n3A = arith.select %and3A, %sub3A_42, %div3A : i32
    %lt3A = arith.cmpi slt, %convert_element_type3A, %select_n3A : i32
    %not3A = arith.constant true
    %not3A_43 = arith.xori %lt3A, %not3A : i1
    %convert_element_type3A_44 = arith.extui %not3A_43 : i1 to i32
    %cond3A = arith.constant 0 : i32
    %cond3A_45 = arith.cmpi ne, %convert_element_type3A_44, %cond3A : i32
    scf.if %cond3A_45 {
      %div3A_49 = arith.divf %add3A_16, %add3A : f32
      %swap3A = arith.constant 0 : index
      %swap3A_50 = memref.load %arg4[%swap3A] : memref<1xf32, #tpu.memory_space<smem>>
      memref.store %div3A_49, %arg4[%swap3A] : memref<1xf32, #tpu.memory_space<smem>>
    } else {
    }
    %convert_element_type3A_46 = arith.extui %lt3A : i1 to i32
    %cond3A_47 = arith.constant 0 : i32
    %cond3A_48 = arith.cmpi ne, %convert_element_type3A_46, %cond3A_47 : i32
    scf.if %cond3A_48 {
      %dma_start3A = arith.constant 0 : i32
      %dma_start3A_49 = arith.constant 0 : i32
      %dma_start3A_50 = arith.constant 0 : i32
      %dma_start3A_51 = tpu.memref_slice %arg5[%dma_start3A, %dma_start3A_49, %dma_start3A_50] : memref<16x128x1024xf32, #tpu.memory_space<vmem>> -> memref<12x128x1024xf32, #tpu.memory_space<vmem>>
      tpu.enqueue_dma source(%arg2 : memref<12x128x1024xf32, #tpu.memory_space<any>>) target(%dma_start3A_51 : memref<12x128x1024xf32, #tpu.memory_space<vmem>>) target_semaphore(%arg6 : memref<!tpu.dma_semaphore, #tpu.memory_space<semaphore_mem>>)
      %dma_wait3A = arith.constant 0 : i32
      %dma_wait3A_52 = arith.constant 0 : i32
      %dma_wait3A_53 = arith.constant 0 : i32
      %dma_wait3A_54 = tpu.memref_slice %arg5[%dma_wait3A, %dma_wait3A_52, %dma_wait3A_53] : memref<16x128x1024xf32, #tpu.memory_space<vmem>> -> memref<12x128x1024xf32, #tpu.memory_space<vmem>>
      tpu.wait_dma2 semaphore(%arg6 : memref<!tpu.dma_semaphore, #tpu.memory_space<semaphore_mem>>) src(%arg2 : memref<12x128x1024xf32, #tpu.memory_space<any>>) dst(%dma_wait3A_54 : memref<12x128x1024xf32, #tpu.memory_space<vmem>>)
      %dma_start3A_55 = arith.constant 12 : i32
      %dma_start3A_56 = arith.constant 0 : i32
      %dma_start3A_57 = arith.constant 0 : i32
      %dma_start3A_58 = tpu.memref_slice %arg5[%dma_start3A_55, %dma_start3A_56, %dma_start3A_57] : memref<16x128x1024xf32, #tpu.memory_space<vmem>> -> memref<4x128x1024xf32, #tpu.memory_space<vmem>>
      tpu.enqueue_dma source(%arg3 : memref<4x128x1024xf32, #tpu.memory_space<any>>) target(%dma_start3A_58 : memref<4x128x1024xf32, #tpu.memory_space<vmem>>) target_semaphore(%arg6 : memref<!tpu.dma_semaphore, #tpu.memory_space<semaphore_mem>>)
      %dma_wait3A_59 = arith.constant 12 : i32
      %dma_wait3A_60 = arith.constant 0 : i32
      %dma_wait3A_61 = arith.constant 0 : i32
      %dma_wait3A_62 = tpu.memref_slice %arg5[%dma_wait3A_59, %dma_wait3A_60, %dma_wait3A_61] : memref<16x128x1024xf32, #tpu.memory_space<vmem>> -> memref<4x128x1024xf32, #tpu.memory_space<vmem>>
      tpu.wait_dma2 semaphore(%arg6 : memref<!tpu.dma_semaphore, #tpu.memory_space<semaphore_mem>>) src(%arg3 : memref<4x128x1024xf32, #tpu.memory_space<any>>) dst(%dma_wait3A_62 : memref<4x128x1024xf32, #tpu.memory_space<vmem>>)
      %get3A_63 = arith.constant 0 : index
      %get3A_64 = arith.constant 0 : index
      %get3A_65 = arith.constant 0 : index
      %get3A_66 = vector.load %arg5[%get3A_63, %get3A_64, %get3A_65] : memref<16x128x1024xf32, #tpu.memory_space<vmem>>, vector<16x128x1024xf32>
      %bitcast_convert_type3A = tpu.bitcast %get3A_66 : vector<16x128x1024xf32> -> vector<16x128x1024xi32>
      %scan3A = arith.constant 0 : i32
      %scan3A_67 = arith.constant 0 : i32
      %scan3A_68 = arith.constant 31 : i32
      %scan3A_69 = arith.addi %scan3A_67, %scan3A_68 : i32
      %scan3A_70 = arith.constant 1 : i32
      %scan3A_71 = scf.for %scan3A_109 = %scan3A_67 to %scan3A_69 step %scan3A_70 iter_args(%scan3A_110 = %scan3A) -> (i32)  : i32 {
        %sub3A_111 = arith.constant 30 : i32
        %sub3A_112 = arith.subi %sub3A_111, %scan3A_109 : i32
        %shift_left3A = arith.constant 1 : i32
        %shift_left3A_113 = arith.shli %shift_left3A, %sub3A_112 : i32
        %or3A = arith.ori %scan3A_110, %shift_left3A_113 : i32
        %gt3A_114 = vector.broadcast %or3A : i32 to vector<16x128x1024xi32>
        %gt3A_115 = arith.cmpi sgt, %bitcast_convert_type3A, %gt3A_114 : vector<16x128x1024xi32>
        %convert_element_type3A_116 = arith.extui %gt3A_115 : vector<16x128x1024xi1> to vector<16x128x1024xi32>
        %reduce_sum3A_117 = vector.shape_cast %convert_element_type3A_116 : vector<16x128x1024xi32> to vector<1x16x128x1024xi32>
        %reduce_sum3A_118 = arith.constant dense<0> : vector<1xi32>
        %reduce_sum3A_119 = vector.multi_reduction <add>, %reduce_sum3A_117, %reduce_sum3A_118 [1, 2, 3] : vector<1x16x128x1024xi32> to vector<1xi32>
        %reduce_sum3A_120 = vector.shape_cast %reduce_sum3A_119 : vector<1xi32> to vector<1x1x1x1xi32>
        %reduce_sum3A_121 = vector.extract %reduce_sum3A_120[0, 0, 0, 0] : i32 from vector<1x1x1x1xi32>
        %ge3A_122 = arith.constant 131072 : i32
        %ge3A_123 = arith.cmpi sge, %reduce_sum3A_121, %ge3A_122 : i32
        %select_n3A_124 = arith.select %ge3A_123, %or3A, %scan3A_110 : i32
        scf.yield %select_n3A_124 : i32
      }
      %scan3A_72 = arith.constant 31 : i32
      %gt3A = arith.constant 0 : i32
      %gt3A_73 = vector.broadcast %gt3A : i32 to vector<16x128x1024xi32>
      %gt3A_74 = arith.cmpi sgt, %bitcast_convert_type3A, %gt3A_73 : vector<16x128x1024xi32>
      %convert_element_type3A_75 = arith.extui %gt3A_74 : vector<16x128x1024xi1> to vector<16x128x1024xi32>
      %reduce_sum3A_76 = vector.shape_cast %convert_element_type3A_75 : vector<16x128x1024xi32> to vector<1x16x128x1024xi32>
      %reduce_sum3A_77 = arith.constant dense<0> : vector<1xi32>
      %reduce_sum3A_78 = vector.multi_reduction <add>, %reduce_sum3A_76, %reduce_sum3A_77 [1, 2, 3] : vector<1x16x128x1024xi32> to vector<1xi32>
      %reduce_sum3A_79 = vector.shape_cast %reduce_sum3A_78 : vector<1xi32> to vector<1x1x1x1xi32>
      %reduce_sum3A_80 = vector.extract %reduce_sum3A_79[0, 0, 0, 0] : i32 from vector<1x1x1x1xi32>
      %ge3A = arith.constant 131072 : i32
      %ge3A_81 = arith.cmpi sge, %reduce_sum3A_80, %ge3A : i32
      %add3A_82 = arith.constant 1 : i32
      %add3A_83 = arith.addi %scan3A_71, %add3A_82 : i32
      %jit3A_84 = arith.constant 0 : i32
      %select_n3A_85 = arith.select %ge3A_81, %add3A_83, %jit3A_84 : i32
      %bitcast_convert_type3A_86 = arith.bitcast %select_n3A_85 : i32 to f32
      %gt3A_87 = vector.broadcast %select_n3A_85 : i32 to vector<16x128x1024xi32>
      %gt3A_88 = arith.cmpi sgt, %bitcast_convert_type3A, %gt3A_87 : vector<16x128x1024xi32>
      %convert_element_type3A_89 = arith.extui %gt3A_88 : vector<16x128x1024xi1> to vector<16x128x1024xi32>
      %reduce_sum3A_90 = vector.shape_cast %convert_element_type3A_89 : vector<16x128x1024xi32> to vector<1x16x128x1024xi32>
      %reduce_sum3A_91 = arith.constant dense<0> : vector<1xi32>
      %reduce_sum3A_92 = vector.multi_reduction <add>, %reduce_sum3A_90, %reduce_sum3A_91 [1, 2, 3] : vector<1x16x128x1024xi32> to vector<1xi32>
      %reduce_sum3A_93 = vector.shape_cast %reduce_sum3A_92 : vector<1xi32> to vector<1x1x1x1xi32>
      %reduce_sum3A_94 = vector.extract %reduce_sum3A_93[0, 0, 0, 0] : i32 from vector<1x1x1x1xi32>
      %jit3A_95 = arith.constant 0.000000e+00 : f32
      %broadcast_in_dim3A = vector.broadcast %jit3A_95 : f32 to vector<16x128x1024xf32>
      %select_n3A_96 = arith.select %gt3A_88, %get3A_66, %broadcast_in_dim3A : vector<16x128x1024xi1>, vector<16x128x1024xf32>
      %reduce_sum3A_97 = vector.shape_cast %select_n3A_96 : vector<16x128x1024xf32> to vector<1x16x128x1024xf32>
      %reduce_sum3A_98 = arith.constant dense<0.000000e+00> : vector<1xf32>
      %reduce_sum3A_99 = vector.multi_reduction <add>, %reduce_sum3A_97, %reduce_sum3A_98 [1, 2, 3] : vector<1x16x128x1024xf32> to vector<1xf32>
      %reduce_sum3A_100 = vector.shape_cast %reduce_sum3A_99 : vector<1xf32> to vector<1x1x1x1xf32>
      %reduce_sum3A_101 = vector.extract %reduce_sum3A_100[0, 0, 0, 0] : f32 from vector<1x1x1x1xf32>
      %sub3A_102 = arith.constant 131072 : i32
      %sub3A_103 = arith.subi %sub3A_102, %reduce_sum3A_94 : i32
      %convert_element_type3A_104 = arith.sitofp %sub3A_103 : i32 to f32
      %mul3A = arith.mulf %convert_element_type3A_104, %bitcast_convert_type3A_86 : f32
      %add3A_105 = arith.addf %reduce_sum3A_101, %mul3A : f32
      %div3A_106 = arith.constant 1.310720e+05 : f32
      %div3A_107 = arith.divf %add3A_105, %div3A_106 : f32
      %swap3A = arith.constant 0 : index
      %swap3A_108 = memref.load %arg4[%swap3A] : memref<1xf32, #tpu.memory_space<smem>>
      memref.store %div3A_107, %arg4[%swap3A] : memref<1xf32, #tpu.memory_space<smem>>
    } else {
    }
    return
  }
}

</mosaic_0001>

<sc_bundles>
// kernel: kernel.5.cloned.1.call-start
scs
__scs_entry_jumppad:
0x0: {  	(pc) =	sbr.rel $0x88, $3  }
0x1: {  	(tag) =	ssettag $0x0;
	lr =	simm.s32 $0x1  }
0x2: {  	[smem:$0x3F9F] =	sst lr;
	_ =	strace $0xD0000000  }
0x3: {  	_ = 	snop  }
0x4: {  	_ = 	snop  }
0x5: {  	_ = 	snop  }
0x6: {  	_ = 	snop  }
0x7: {  	_ = 	snop  }
__scs_overlays_trampoline_lowered:
0x8: {  	[smem:$0x3FAE] =	sst s0  }
0x9: {  	[smem:$0x3FAF] =	sst s1  }
0xa: {  	[smem:$0x3FB0] =	sst s2  }
0xb: {  	[smem:$0x3FB1] =	sst s3  }
0xc: {  	[smem:$0x3FB2] =	sst s4  }
0xd: {  	[smem:$0x3FB3] =	sst s5  }
0xe: {  	[smem:$0x3FB4] =	sst s6  }
0xf: {  	[smem:$0x3FB5] =	sst s7  }
0x10: {  	[smem:$0x3FB6] =	sst s8  }
0x11: {  	[smem:$0x3FB7] =	sst s9;
	s0 =	simm.s32 @!p0 $0x0  }
0x12: {  	s1 =	sld [smem:$0x3F9D];
	s0 =	simm.s32 @p0 $0x1  }
0x13: {  	[smem:$0x3FB8] =	sst s0;
	s0 =	simm.s32 @!p1 $0x0  }
0x14: {  	s2 =	sld [smem:$0x3F9C];
	s0 =	simm.s32 @p1 $0x1  }
0x15: {  	[smem:$0x3FB9] =	sst s0;
	s0 =	simm.s32 @!p2 $0x0  }
0x16: {  	s3 =	sld [smem:$0x3FDB];
	s0 =	simm.s32 @p2 $0x1  }
0x17: {  	s4 =	simm.s32 $0x1BF5;
	[smem:$0x3FBB] =	sst s0  }
0x18: {  	s0 =	sld [smem:$0x3F9E];
	_ =	swait.ge [sflag:s4], $0x0  }
0x19: {  	s7 =	sld [smem:$0x3F9F]  }
0x1a: {  	s8 =	sadd.s32 $0xFFFFE003, lr  }
0x1b: {  	s9 =	sadd.s32 $0xFFFFFEF7, lr;
	s5 =	simm.s32 $0xFFFFFFFF;
	p2 =	slt.u32 s8, $0xFFFFF086  }
0x1c: {  	p1 =	slt.u32 s9, $0xF7A;
	s5 =	simm.s32 @!p2 $0x0  }
0x1d: {  	s5 =	simm.s32 @p1 $0x1;
	p0 =	seq.s32 s7, s2  }
0x1e: {  	s7 =	smul.u32 @!p0 $0xF7A, s2;
	p2 =	seq.s32 @!p0 s5, $0x0  }
0x1f: {  	s9 =	smul.u32 $0xF7A, s1;
	s8 =	simm.s32 @!p0 $0x1BF5;
	p2 =	por !p2, p0  }
0x20: {  	[sflag:s8] =	ssyncset.s32 @!p0 $0xFFFFF086;
	s6 =	sadd.s32 @!p0 s3, s7;
	s7 =	simm.s32 @!p0 $0x108  }
0x21: {  	s3 =	sadd.s32 s3, s9;
	s6 =	sadd.s32 @!p0 $0x88, s6;
	s7 =	simm.s32 @p2 $0x1082  }
0x22: {  	[simem:s7], [sflag:s8] =	dma.local @!p0 [hbm:s6], $0xF7A  }
0x23: {  	s9 =	sor.u32 $0xD0000000, s2;
	s6 =	simm.s32 $0x108;
	_ =	swait.ge @!p0 [sflag:s8], $0x0  }
0x24: {  	s3 =	sadd.s32 $0x88, s3;
	s6 =	simm.s32 @!p1 $0x1082;
	[sflag:s4] =	ssyncset.s32 $0xFFFFF086  }
0x25: {  	[simem:s6], [sflag:s4] =	dma.local [hbm:s3], $0xF7A  }
0x26: {  	[smem:$0x3F9F] =	sst s1;
	(tag) =	ssettag s2;
	_ =	strace s9  }
0x27: {  	s1 =	sld [smem:$0x3FAF]  }
0x28: {  	s2 =	sld [smem:$0x3FB0]  }
0x29: {  	s4 =	sld [smem:$0x3FB2]  }
0x2a: {  	p0 =	seq.s32 s5, $0x0;
	s5 =	sld [smem:$0x3FB3]  }
0x2b: {  	s6 =	sld [smem:$0x3FB4]  }
0x2c: {  	s7 =	sld [smem:$0x3FB5]  }
0x2d: {  	s3 =	simm.s32 $0x108;
	s8 =	sld [smem:$0x3FB6]  }
0x2e: {  	s3 =	simm.s32 @!p0 $0x1082;
	s9 =	sld [smem:$0x3FB7]  }
0x2f: {  	lr =	sadd.s32 s0, s3;
	s0 =	sld [smem:$0x3FAE]  }
0x30: {  	s3 =	sld [smem:$0x3FB1]  }
0x31: {  	[smem:$0x3FBA] =	sst s10  }
0x32: {  	s10 =	sld [smem:$0x3FB8];
	_ =	sdelay $0x3  }
0x33: {  	p0 =	seq.s32 s10, $0x1;
	s10 =	sld [smem:$0x3FBA];
	_ =	sdelay $0x3  }
0x34: {  	[smem:$0x3FBA] =	sst s10  }
0x35: {  	s10 =	sld [smem:$0x3FB9];
	_ =	sdelay $0x3  }
0x36: {  	p1 =	seq.s32 s10, $0x1;
	s10 =	sld [smem:$0x3FBA];
	_ =	sdelay $0x3  }
0x37: {  	[smem:$0x3FBA] =	sst s10  }
0x38: {  	s10 =	sld [smem:$0x3FBB]  }
0x39: {  	_ = 	snop;
	(pc) =	sbr.ind lr, $3  }
0x3a: {  	_ = 	snop  }
0x3b: {  	_ = 	snop  }
0x3c: {  	p2 =	seq.s32 s10, $0x1;
	s10 =	sld [smem:$0x3FBA]  }
0x3d: {  	_ =	shalt  }
0x3e: {  	_ =	shalt  }
0x3f: {  	_ =	shalt  }
0x40: {  	_ =	shalt  }
0x41: {  	_ =	shalt  }
0x42: {  	_ =	shalt  }
0x43: {  	_ =	shalt  }
0x44: {  	_ =	shalt  }
0x45: {  	_ =	shalt  }
0x46: {  	_ =	shalt  }
0x47: {  	_ =	shalt  }
0x48: {  	_ =	shalt  }
0x49: {  	_ =	shalt  }
0x4a: {  	_ =	shalt  }
0x4b: {  	_ =	shalt  }
0x4c: {  	_ =	shalt  }
0x4d: {  	_ =	shalt  }
0x4e: {  	_ =	shalt  }
0x4f: {  	_ =	shalt  }
0x50: {  	_ =	shalt  }
0x51: {  	_ =	shalt  }
0x52: {  	_ =	shalt  }
0x53: {  	_ =	shalt  }
0x54: {  	_ =	shalt  }
0x55: {  	_ =	shalt  }
0x56: {  	_ =	shalt  }
0x57: {  	_ =	shalt  }
0x58: {  	_ =	shalt  }
0x59: {  	_ =	shalt  }
0x5a: {  	_ =	shalt  }
0x5b: {  	_ =	shalt  }
0x5c: {  	_ =	shalt  }
0x5d: {  	_ =	shalt  }
0x5e: {  	_ =	shalt  }
0x5f: {  	_ =	shalt  }
0x60: {  	_ =	shalt  }
0x61: {  	_ =	shalt  }
0x62: {  	_ =	shalt  }
0x63: {  	_ =	shalt  }
0x64: {  	_ =	shalt  }
0x65: {  	_ =	shalt  }
0x66: {  	_ =	shalt  }
0x67: {  	_ =	shalt  }
0x68: {  	_ =	shalt  }
0x69: {  	_ =	shalt  }
0x6a: {  	_ =	shalt  }
0x6b: {  	_ =	shalt  }
0x6c: {  	_ =	shalt  }
0x6d: {  	_ =	shalt  }
0x6e: {  	_ =	shalt  }
0x6f: {  	_ =	shalt  }
0x70: {  	_ =	shalt  }
0x71: {  	_ =	shalt  }
0x72: {  	_ =	shalt  }
0x73: {  	_ =	shalt  }
0x74: {  	_ =	shalt  }
0x75: {  	_ =	shalt  }
0x76: {  	_ =	shalt  }
0x77: {  	_ =	shalt  }
0x78: {  	_ =	shalt  }
0x79: {  	_ =	shalt  }
0x7a: {  	_ =	shalt  }
0x7b: {  	_ =	shalt  }
0x7c: {  	_ =	shalt  }
0x7d: {  	_ =	shalt  }
0x7e: {  	_ =	shalt  }
0x7f: {  	_ =	shalt  }
0x80: {  	_ =	shalt  }
0x81: {  	_ =	shalt  }
0x82: {  	_ =	shalt  }
0x83: {  	_ =	shalt  }
0x84: {  	_ =	shalt  }
0x85: {  	_ =	shalt  }
0x86: {  	_ =	shalt  }
0x87: {  	_ =	shalt  }
.Lfunc_end0:
.L_simem_size_0:
called_computation_lowered:
.L_overlay_start_0:
0x88: {  	s2 =	sld [smem:$0x3FD9]  }
0x89: {  	s3 =	sld [smem:$0x3FFE];
	_ =	sdelay $0x1  }
0x8a: {  	s1 =	srdreg.scid  }
0x8b: {  	s0 =	sand.u32 $0x1, s1  }
0x8c: {  	s16 =	sshll.u32 s0, $0xA;
	s2 =	sadd.s32 s3, s2  }
0x8d: {  	s2 =	sadd.s32 s2, s16  }
0x8e: {  	[smem:$0x3FC6] =	sst s2  }
0x8f: {  	_ = 	snop  }
0x90: {  	(tm) =	ssettm $0x1  }
0x91: {  	s17 =	sld [smem:$0x3FFB];
	_ =	sdelay $0x3  }
0x92: {  	_ =	strace s17  }
0x93: {  	s2 =	sld [smem:$0x3FFC];
	_ =	sdelay $0x3  }
0x94: {  	_ =	strace s2  }
0x95: {  	s2 =	sld [smem:$0x3FFD];
	_ =	sdelay $0x3  }
0x96: {  	_ =	strace s2  }
0x97: {  	_ =	strace $0x8FFFFFFF  }
0x98: {  	s18 =	sld [smem:$0x3FDB];
	_ =	sdelay $0x1  }
0x99: {  	s19 =	simm.s32 $_scs_section_size  }
0x9a: {  	s4 =	simm.s32 $_size__tile_overlayer_lowered;
	s5 =	simm.s32 $_tile_overlayer_lowered  }
0x9b: {  	s22 =	simm.s32 $0x1BFF;
	s21 =	sshll.u32 s5, $0x1;
	s2 =	sadd.s32 s19, s18  }
0x9c: {  	s6 =	simm.s32 $0x0;
	s20 =	sshll.u32 s4, $0x1;
	s4 =	sadd.s32 s21, s2  }
0x9d: {  	[timem:s6], [sflag:s22] =	dma.local [hbm:s4], s20  }
0x9e: {  	_ =	swait.ge [sflag:s22], s20  }
0x9f: {  	s3 =	ssub.s32 $0x0, s20;
	[sflag:s22] =	ssyncset.done $0x0  }
0xa0: {  	[sflag:s22] =	ssyncadd.s32 s3;
	_ =	sdelay $0x1  }
0xa1: {  	s23 =	simm.s32 $0x1B8B  }
0xa2: {  	_ =	swait.ge [sflag:s23], $0x1  }
0xa3: {  	[sflag:s23] =	ssyncset.done $0x0  }
0xa4: {  	s25 =	simm.s32 $0x1B8E;
	s24 =	sld [smem:$0x3FFE];
	[sflag:s23] =	ssyncadd.s32 $0xFFFFFFFF  }
0xa5: {  	s26 =	simm.s32 $execute0_lowered;
	[smem:$0x3FD2] =	sst s25  }
0xa6: {  	s4 =	sshll.u32 s26, $0x1;
	_ =	strace $0x80000046;
	[dreg:$0x1] =	wrdreg $0xFFFFFFFF  }
0xa7: {  	s28 =	simm.s32 $_size_execute0_lowered;
	s2 =	sadd.s32 s2, s4;
	[dreg:$0x0] =	wrdreg $0x0  }
0xa8: {  	s4 =	sshll.u32 s28, $0x1;
	[dreg:$0x2] =	wrdreg s2  }
0xa9: {  	[dreg:$0x3] =	wrdreg s4  }
0xaa: {  	[dreg:$0x4] =	wrdreg $0xC0  }
0xab: {  	_ =	task [dreg:s6], $0x5FFFF  }
0xac: {  	[dreg:$0x1] =	wrdreg $0xFFFFFFFF  }
0xad: {  	[dreg:$0x0] =	wrdreg $0x60  }
0xae: {  	[dreg:$0x2] =	wrdreg s24  }
0xaf: {  	[dreg:$0x3] =	wrdreg $0x9  }
0xb0: {  	_ =	task.clear_ibuf [dreg:s6], $0x4FFFF;
	_ =	strace $0x90000046  }
0xb1: {  	s29 =	simm.s32 $0x9;
	_ =	strace $0x80000048  }
0xb2: {  	_ =	swait.ge [sflag:s29], $0x1  }
0xb3: {  	[sflag:s29] =	ssyncadd.s32 $0xFFFFFFFF  }
0xb4: {  	_ =	strace $0x90000048  }
0xb5: {  	_ =	sfence  }
0xb6: {  	s30 =	sld [smem:$0x0];
	_ =	sdelay $0x2  }
0xb7: {  	s31 =	sshll.u32 s1, $0xD;
	s1 =	sshrl.u32 s1, $0x2  }
0xb8: {  	s3 =	sand.u32 $0x4000, s31;
	s1 =	sadd.s32 s1, s30  }
0xb9: {  	s0 =	sor.u32 s3, s0;
	s1 =	sshll.u32 s1, $0x11  }
0xba: {  	s0 =	sor.u32 s1, s0  }
0xbb: {  	s0 =	sadd.s32 $0x8F2B, s0  }
0xbc: {  	[sflag:s0] =	ssyncadd.remote.s32 $0x1  }
0xbd: {  	_ =	sfence.sel $0xFFFF  }
0xbe: {  	[dreg:$0x0] =	wrdreg $0xFFFFFFFF;
	(pc) =	sbr.abs _section_cstart, $3  }
0xbf: {  	[dreg:$0x1] =	wrdreg $0xFFFFFFFF  }
0xc0: {  	_ =	task.clear_ibuf [dreg:s6], $0x2FFFF;
	_ =	strace $0x9FFFFFFF  }
0xc1: {  	(tm) =	ssettm $0x7FFFFFFF  }
tec
execute0_lowered:
.L_overlay_start_1:
0x0: {  	(tag) =	ssettag $0x1  }
0x1: {  	s5 =	stileid.u32;
	s0 =	rddreg [dreg:$0x0]  }
0x2: {  	s6 =	simm.s32 $0x0;
	s4 =	srdreg.scid;
	s12 =	simm.s32 $0x1  }
0x3: {  	s13 =	simm.s32 $0x80;
	s15 =	simm.s32 $0x100;
	s16 =	simm.s32 $0xC800  }
0x4: {  	s1 =	sshrl.u32 s5, $0x3;
	[smem:$0x7FF] =	sst s6;
	s4 =	sand.u32 $0x1, s4  }
0x5: {  	s5 =	sshll.u32 s5, $0x1;
	s2 =	sor.u32 $0x6, s1;
	_ =	strace $0x80000047  }
0x6: {  	s5 =	sor.u32 s4, s5;
	s4 =	ssub.s32 $0x2, s4;
	s3 =	smul.u32 $0xC0000, s2  }
0x7: {  	s2 =	sshll.u32 s2, $0x4;
	s28 =	sshll.u32 s5, $0x4;
	s7 =	sshrl.u32 s4, $0x1  }
0x8: {  	s30 =	sshll.u32 s5, $0xE;
	s2 =	sadd.s32 s2, s0;
	s8 =	sadd.s32 s28, s0  }
0x9: {  	s29 =	ssub.s32 s4, s7;
	s4 =	sand.u32 $0x3C000, s30;
	s7 =	sshll.u32 s1, $0x7  }
0xa: {  	s1 =	simm.s32 $0x0;
	s26 =	sadd.s32 s3, s0;
	s31 =	sadd.s32 $0x651000, s8  }
0xb: {  	s3 =	sadd.s32 $0x641000, s0;
	s0 =	smax.u32 s29, $0x1;
	[dreg:$0x2] =	wrdreg s31  }
0xc: {  	v0 =	vimm.f32 $0.0e+00;
	v1 =	vimm.s32 $0xFFFFFF81;
	v2 =	vimm.f32 $1.000000000e+00;
	s6 =	sadd.s32 $0x601000, s2;
	s5 =	sadd.s32 $0x1000, s26;
	[dreg:$0x3] =	wrdreg s0  }
.LBB2_1:
0xd: {  	[tilespmem:$0xD080] =	vst v0  }
0xe: {  	[tilespmem:$0xD100] =	vst v0  }
0xf: {  	[dreg:$0x4] =	wrdreg s1;
	[tilespmem:$0xD180] =	vst v0;
	s19 =	simm.s32 $0x0  }
.LBB2_2:
0x10: {  	s0 =	sshll.u32 s19, $0xB  }
0x11: {  	s21 =	simm.s32 $0x0;
	s20 =	sadd.s32 s4, s0  }
0x12: {  	s1 =	simm.s32 $0x4000;
	s2 =	simm.s32 $0x200000;
	s0 =	sadd.s32 s20, s5  }
0x13: {  	[tilespmem:s21], [sflag:$0x1] =	stream.strided.gather [hbm4b:s0+s1], $0xC000, s2, s1, $0x38;
	[tilespmem:$0xD200] =	vst v63  }
0x14: {  	_ =	swait.ge [sflag:s12], $0xC000  }
0x15: {  	s22 =	simm.s32 $0xC000;
	[sflag:s12] =	ssyncset.done $0x0  }
0x16: {  	s31 =	simm.s32 $0x400;
	s30 =	sadd.s32 s20, s6;
	[sflag:s12] =	ssyncadd.s32 $0xFFFF4000  }
0x17: {  	[tilespmem:s22], [sflag:$0x1] =	stream.strided.gather [hbm4b:s30+s13], $0x800, s31, s13, $0x38;
	[tilespmem:$0xD200] =	vst v63  }
0x18: {  	_ =	swait.ge [sflag:s12], $0x800  }
0x19: {  	s23 =	simm.s32 $0xC800;
	[sflag:s12] =	ssyncset.done $0x0  }
0x1a: {  	s24 =	simm.s32 $0x0;
	s25 =	simm.s32 $0x0;
	[sflag:s12] =	ssyncadd.s32 $0xFFFFF800  }
.LBB2_3:
0x1b: {  	s28 =	sand.u32 $0x60, s25;
	s26 =	sand.u32 $0x3C00, s24  }
0x1c: {  	s0 =	sor.u32 s28, s26  }
0x1d: {  	v11 =	vld [tilespmem:s0+$0x0]  }
0x1e: {  	v7 =	vld [tilespmem:s0+$0x80]  }
0x1f: {  	s1 =	sand.u32 $0x3, s21;
	v10 =	vld [tilespmem:s0+$0x100]  }
0x20: {  	s1 =	sshll.u32 s1, $0x5;
	v4 =	vld [tilespmem:s0+$0x180]  }
0x21: {  	s31 =	sadd.s32 s1, s24;
	v5 =	vld [tilespmem:s0+$0x200]  }
0x22: {  	v6 =	vld [tilespmem:s0+$0x280];
	s1 =	sor.u32 $0x300, s31;
	v9 =	vmul.f32 $1.442695020e+00, v11  }
0x23: {  	s29 =	sor.u32 $0x4000, s26;
	s2 =	sor.u32 $0x380, s31;
	v3 =	vld [tilespmem:s1+$0x0];
	v12 =	vmul.f32 $1.442695020e+00, v7  }
0x24: {  	s30 =	sor.u32 $0x4080, s26;
	s8 =	sor.u32 s28, s29;
	v8 =	vld [tilespmem:s2+$0x0];
	v13 =	vmul.f32 $1.442695020e+00, v10;
	(erf) = vpow2.f32 v9  }
0x25: {  	s9 =	sor.u32 s28, s30;
	v37 =	vld [tilespmem:s8+$0x0];
	s1 =	sor.u32 $0x4100, s26;
	v38 =	vmul.f32 $1.442695020e+00, v4;
	(erf) = vpow2.f32 v12  }
0x26: {  	s0 =	sor.u32 $0x4180, s26;
	v14 =	vld [tilespmem:s9+$0x0];
	s2 =	sor.u32 s28, s1;
	v39 =	vmul.f32 $1.442695020e+00, v5;
	(erf) = vpow2.f32 v13  }
0x27: {  	s8 =	sor.u32 s28, s0;
	v15 =	vld [tilespmem:s2+$0x0];
	s2 =	sor.u32 $0x4200, s26;
	v40 =	vmul.f32 $1.442695020e+00, v6;
	(erf) = vpow2.f32 v38  }
0x28: {  	s17 =	sor.u32 $0x4280, s26;
	v16 =	vld [tilespmem:s8+$0x0];
	s10 =	sor.u32 s28, s2;
	v41 =	vmul.f32 $1.442695020e+00, v3;
	(erf) = vpow2.f32 v39  }
0x29: {  	s9 =	sor.u32 s28, s17;
	s8 =	sor.u32 $0x4300, s26;
	v17 =	vld [tilespmem:s10+$0x0];
	v42 =	vmul.f32 $1.442695020e+00, v8;
	(erf) = vpow2.f32 v40  }
0x2a: {  	v18 =	vld [tilespmem:s9+$0x0];
	s9 =	sor.u32 $0x4380, s26;
	s10 =	sor.u32 s28, s8;
	v43 =	vmul.f32 $1.442695020e+00, v37;
	(erf) = vpow2.f32 v41  }
0x2b: {  	s11 =	sor.u32 s28, s9;
	v44 =	vmul.f32 $1.442695020e+00, v14;
	v19 =	vld [tilespmem:s10+$0x0];
	(erf) = vpow2.f32 v42  }
0x2c: {  	v20 =	vld [tilespmem:s11+$0x0];
	v45 =	vmul.f32 $1.442695020e+00, v15;
	(erf) = vpow2.f32 v43  }
0x2d: {  	s10 =	sor.u32 $0x8000, s26;
	v46 =	vmul.f32 $1.442695020e+00, v16;
	v21 =	vpop (erf);
	(erf) = vpow2.f32 v44  }
0x2e: {  	s18 =	sor.u32 $0x8080, s26;
	s11 =	sor.u32 s28, s10;
	v47 =	vmul.f32 $1.442695020e+00, v17;
	v23 =	vpop (erf);
	(erf) = vpow2.f32 v45  }
0x2f: {  	s14 =	sor.u32 s28, s18;
	v48 =	vmul.f32 $1.442695020e+00, v18;
	v22 =	vld [tilespmem:s11+$0x0];
	v25 =	vpop (erf);
	(erf) = vpow2.f32 v46  }
0x30: {  	v24 =	vld [tilespmem:s14+$0x0];
	s11 =	sor.u32 $0x8100, s26;
	v49 =	vmul.f32 $1.442695020e+00, v19;
	v26 =	vpop (erf);
	(erf) = vpow2.f32 v47  }
0x31: {  	v50 =	vmul.f32 $1.442695020e+00, v20;
	s14 =	sor.u32 s28, s11;
	v27 =	vpop (erf);
	(erf) = vpow2.f32 v48  }
0x32: {  	v28 =	vld [tilespmem:s14+$0x0];
	v29 =	vpop (erf);
	(erf) = vpow2.f32 v49  }
0x33: {  	v51 =	vpop (erf);
	(erf) = vpow2.f32 v50  }
0x34: {  	v52 =	vmul.f32 $1.442695020e+00, v22;
	v30 =	vpop (erf)  }
0x35: {  	v31 =	vmul.f32 $1.442695020e+00, v24;
	v32 =	vpop (erf)  }
0x36: {  	(erf) = vpow2.f32 v52;
	v53 =	vpop (erf)  }
0x37: {  	v33 =	vmul.f32 $1.442695020e+00, v28;
	(erf) = vpow2.f32 v31;
	v54 =	vpop (erf)  }
0x38: {  	v34 =	vpop (erf)  }
0x39: {  	v35 =	vpop (erf);
	(erf) = vpow2.f32 v33  }
0x3a: {  	v21 =	vadd.f32 v23, v21;
	v56 =	vadd.f32 v26, v25;
	v55 =	vpop (erf)  }
0x3b: {  	v58 =	vadd.f32 v29, v27;
	v13 =	vadd.f32 v30, v51;
	v57 =	vpop (erf)  }
0x3c: {  	v12 =	vadd.f32 v53, v32;
	v60 =	vadd.f32 v34, v54;
	v59 =	vpop (erf)  }
0x3d: {  	v61 =	vadd.f32 v55, v35;
	v25 =	vadd.f32 v59, v57  }
0x3e: {  	v21 =	vadd.f32 v56, v21;
	v13 =	vadd.f32 v13, v58  }
0x3f: {  	v12 =	vadd.f32 v60, v12;
	v62 =	vpop (erf);
	v25 =	vadd.f32 v25, v61  }
0x40: {  	v13 =	vadd.f32 v13, v21;
	v63 =	vpop (erf)  }
0x41: {  	v23 =	vadd.f32 v63, v62;
	v12 =	vadd.f32 v25, v12  }
0x42: {  	v30 =	vpop (erf)  }
0x43: {  	v21 =	vadd.f32 v30, v23;
	v12 =	vadd.f32 v12, v13;
	_ =	sdelay $0x1  }
0x44: {  	v12 =	vadd.f32 v21, v12;
	_ =	sdelay $0x1  }
0x45: {  	v31 =	vand.u32 $0x7FFFFF, v12  }
0x46: {  	v13 =	vor.u32 $0x3F800000, v31  }
0x47: {  	v32 =	vmul.f32 $5.000000000e-01, v13  }
0x48: {  	vm0 =	vgt.f32 v13, $1.414213540e+00  }
0x49: {  	v13 =	vsel vm0, v32, v13  }
0x4a: {  	v21 =	vadd.f32 $1.000000000e+00, v13;
	_ =	sdelay $0x1  }
0x4b: {  	v33 =	vld [tilespmem:s22+$0x0];
	(erf) = vrcp.f32 v21;
	_ =	sdelay $0x4  }
0x4c: {  	vm1 =	veq.s32 v33, $0x0  }
0x4d: {  	vm5 =	veq.s32 v33, $0x1;
	vm2 =	veq.s32 v33, $0x2;
	vm6 =	veq.s32 v33, $0x3  }
0x4e: {  	vm7 =	veq.s32 v33, $0x4;
	vm3 =	veq.s32 v33, $0x5;
	vm8 =	veq.s32 v33, $0x6  }
0x4f: {  	vm9 =	veq.s32 v33, $0x7;
	vm10 =	veq.s32 v33, $0x8;
	v13 =	vadd.f32 $-1.000000000e+00, v13  }
0x50: {  	vm11 =	veq.s32 v33, $0x9;
	vm12 =	veq.s32 v33, $0xA;
	vm13 =	veq.s32 v33, $0xB;
	v21 =	vpop (erf)  }
0x51: {  	vm14 =	veq.s32 v33, $0xC;
	vm15 =	veq.s32 v33, $0xD;
	v13 =	vmul.f32 v21, v13  }
0x52: {  	v11 =	vnsel vm1, $0x0, v11;
	v7 =	vnsel vm5, $0x0, v7;
	v10 =	vnsel vm2, $0x0, v10  }
0x53: {  	v4 =	vnsel vm6, $0x0, v4;
	v5 =	vnsel vm7, $0x0, v5;
	v21 =	vmul.f32 v13, v13  }
0x54: {  	v6 =	vnsel vm3, $0x0, v6;
	v3 =	vnsel vm8, $0x0, v3;
	v8 =	vnsel vm9, $0x0, v8  }
0x55: {  	v9 =	vnsel vm10, $0x0, v37;
	v14 =	vnsel vm11, $0x0, v14;
	v34 =	vmul.f32 $1.111111120e-01, v21  }
0x56: {  	v15 =	vnsel vm12, $0x0, v15;
	v16 =	vnsel vm13, $0x0, v16;
	v17 =	vnsel vm14, $0x0, v17  }
0x57: {  	vm6 =	veq.s32 v33, $0xE;
	vm7 =	veq.s32 v33, $0xF;
	v25 =	vadd.f32 $1.428571490e-01, v34  }
0x58: {  	v18 =	vnsel vm15, $0x0, v18;
	vm8 =	veq.s32 v33, $0x10;
	vm9 =	veq.s32 v33, $0x11  }
0x59: {  	v19 =	vnsel vm6, $0x0, v19;
	v7 =	vadd.f32 v7, v11;
	v35 =	vmul.f32 v25, v21  }
0x5a: {  	v20 =	vnsel vm7, $0x0, v20;
	v4 =	vadd.f32 v4, v10;
	v5 =	vadd.f32 v6, v5  }
0x5b: {  	v22 =	vnsel vm8, $0x0, v22;
	v3 =	vadd.f32 v8, v3;
	v36 =	vadd.f32 $2.000000030e-01, v35  }
0x5c: {  	v37 =	vnsel vm9, $0x0, v24;
	v9 =	vadd.f32 v14, v9;
	v38 =	vadd.f32 v16, v15  }
0x5d: {  	v39 =	vadd.f32 v18, v17;
	v40 =	vadd.f32 v20, v19;
	v6 =	vmul.f32 v36, v21  }
0x5e: {  	vm10 =	veq.s32 v33, $0x12;
	v8 =	vadd.f32 v37, v22;
	v4 =	vadd.f32 v4, v7  }
0x5f: {  	v41 =	vnsel vm10, $0x0, v28;
	v3 =	vadd.f32 v3, v5;
	v42 =	vadd.f32 $3.333333430e-01, v6  }
0x60: {  	v43 =	vadd.f32 v38, v9;
	v44 =	vadd.f32 v40, v39;
	v45 =	vshrl.u32 v12, $0x17  }
0x61: {  	v10 =	vand.u32 $0xFF, v45;
	v46 =	vsel vm0, $0xFFFFFF82, v1;
	v5 =	vmul.f32 v42, v21  }
0x62: {  	v3 =	vadd.f32 v3, v4;
	v47 =	vadd.f32 v44, v43;
	v48 =	vadd.s32 v10, v46  }
0x63: {  	v49 =	vadd.f32 v13, v13;
	v6 =	vcvt.s32.f32 v48;
	v5 =	vadd.f32 $1.000000000e+00, v5  }
0x64: {  	v7 =	vadd.f32 v41, v8  }
0x65: {  	v3 =	vadd.f32 v47, v3;
	v50 =	vmul.f32 $6.931471820e-01, v6;
	v5 =	vmul.f32 v5, v49;
	_ =	sdelay $0x1  }
0x66: {  	v3 =	vadd.f32 v7, v3;
	v4 =	vadd.f32 v5, v50;
	_ =	sdelay $0x1  }
0x67: {  	v51 =	vsub.f32 v4, v3  }
0x68: {  	vm0 =	veq.s32 v33, $0xFF;
	v5 =	vld [tilespmem:$0xD080]  }
0x69: {  	s28 =	sor.u32 $0x10, s28;
	v3 =	vld [tilespmem:$0xD100];
	v6 =	vsel vm0, $0x0, v51  }
0x6a: {  	s14 =	sor.u32 s28, s26;
	v4 =	vld [tilespmem:$0xD180];
	[tilespmem:s23+$0x0] =	vst v6  }
0x6b: {  	v7 =	vld [tilespmem:s14+$0x0]  }
0x6c: {  	v8 =	vld [tilespmem:s14+$0x80]  }
0x6d: {  	v9 =	vld [tilespmem:s14+$0x100]  }
0x6e: {  	v10 =	vld [tilespmem:s14+$0x180]  }
0x6f: {  	s26 =	sadd.s32 $0x10, s31;
	v11 =	vld [tilespmem:s14+$0x200]  }
0x70: {  	s31 =	sor.u32 $0x300, s26;
	v12 =	vld [tilespmem:s14+$0x280];
	v52 =	vmul.f32 $1.442695020e+00, v7  }
0x71: {  	s26 =	sor.u32 $0x380, s26;
	v14 =	vld [tilespmem:s31+$0x0];
	v53 =	vmul.f32 $1.442695020e+00, v8  }
0x72: {  	s29 =	sor.u32 s28, s29;
	v16 =	vld [tilespmem:s26+$0x0];
	v54 =	vmul.f32 $1.442695020e+00, v9;
	(erf) = vpow2.f32 v52  }
0x73: {  	v17 =	vld [tilespmem:s29+$0x0];
	s31 =	sor.u32 s28, s30;
	v55 =	vmul.f32 $1.442695020e+00, v10;
	(erf) = vpow2.f32 v53  }
0x74: {  	s1 =	sor.u32 s28, s1;
	v18 =	vld [tilespmem:s31+$0x0];
	v56 =	vmul.f32 $1.442695020e+00, v11;
	(erf) = vpow2.f32 v54  }
0x75: {  	s0 =	sor.u32 s28, s0;
	v19 =	vld [tilespmem:s1+$0x0];
	v57 =	vmul.f32 $1.442695020e+00, v12;
	(erf) = vpow2.f32 v55  }
0x76: {  	v20 =	vld [tilespmem:s0+$0x0];
	s1 =	sor.u32 s28, s2;
	v58 =	vmul.f32 $1.442695020e+00, v14;
	(erf) = vpow2.f32 v56  }
0x77: {  	s2 =	sor.u32 s28, s17;
	v21 =	vld [tilespmem:s1+$0x0];
	v59 =	vmul.f32 $1.442695020e+00, v16;
	(erf) = vpow2.f32 v57  }
0x78: {  	s14 =	sor.u32 s28, s8;
	v22 =	vld [tilespmem:s2+$0x0];
	v60 =	vmul.f32 $1.442695020e+00, v17;
	(erf) = vpow2.f32 v58  }
0x79: {  	s17 =	sor.u32 s28, s9;
	v23 =	vld [tilespmem:s14+$0x0];
	v61 =	vmul.f32 $1.442695020e+00, v18;
	(erf) = vpow2.f32 v59  }
0x7a: {  	v24 =	vld [tilespmem:s17+$0x0];
	v62 =	vmul.f32 $1.442695020e+00, v19;
	(erf) = vpow2.f32 v60  }
0x7b: {  	v41 =	vmul.f32 $1.442695020e+00, v20;
	v63 =	vpop (erf);
	(erf) = vpow2.f32 v61  }
0x7c: {  	s26 =	sor.u32 s28, s10;
	v43 =	vmul.f32 $1.442695020e+00, v21;
	v42 =	vpop (erf);
	(erf) = vpow2.f32 v62  }
0x7d: {  	s29 =	sor.u32 s28, s18;
	v26 =	vld [tilespmem:s26+$0x0];
	v45 =	vmul.f32 $1.442695020e+00, v22;
	v44 =	vpop (erf);
	(erf) = vpow2.f32 v41  }
0x7e: {  	v28 =	vld [tilespmem:s29+$0x0];
	v47 =	vmul.f32 $1.442695020e+00, v23;
	v46 =	vpop (erf);
	(erf) = vpow2.f32 v43  }
0x7f: {  	s30 =	sor.u32 s28, s11;
	v49 =	vmul.f32 $1.442695020e+00, v24;
	v48 =	vpop (erf);
	(erf) = vpow2.f32 v45  }
0x80: {  	v32 =	vld [tilespmem:s30+$0x0];
	v50 =	vpop (erf);
	(erf) = vpow2.f32 v47  }
0x81: {  	v51 =	vpop (erf);
	(erf) = vpow2.f32 v49  }
0x82: {  	v52 =	vmul.f32 $1.442695020e+00, v26;
	v53 =	vpop (erf)  }
0x83: {  	v54 =	vmul.f32 $1.442695020e+00, v28;
	v36 =	vpop (erf)  }
0x84: {  	(erf) = vpow2.f32 v52;
	v55 =	vpop (erf)  }
0x85: {  	v37 =	vmul.f32 $1.442695020e+00, v32;
	(erf) = vpow2.f32 v54;
	v56 =	vpop (erf)  }
0x86: {  	v38 =	vpop (erf)  }
0x87: {  	(erf) = vpow2.f32 v37;
	v39 =	vpop (erf)  }
0x88: {  	v25 =	vadd.f32 v42, v63;
	v58 =	vadd.f32 v46, v44;
	v57 =	vpop (erf)  }
0x89: {  	v60 =	vadd.f32 v50, v48;
	v13 =	vadd.f32 v53, v51;
	v59 =	vpop (erf)  }
0x8a: {  	v15 =	vadd.f32 v55, v36;
	v62 =	vadd.f32 v38, v56;
	v61 =	vpop (erf)  }
0x8b: {  	v63 =	vadd.f32 v57, v39;
	v29 =	vadd.f32 v61, v59  }
0x8c: {  	v25 =	vadd.f32 v58, v25;
	v13 =	vadd.f32 v13, v60  }
0x8d: {  	v15 =	vadd.f32 v62, v15;
	v36 =	vpop (erf);
	v29 =	vadd.f32 v29, v63  }
0x8e: {  	v13 =	vadd.f32 v13, v25;
	v37 =	vpop (erf)  }
0x8f: {  	v27 =	vadd.f32 v37, v36;
	v15 =	vadd.f32 v29, v15  }
0x90: {  	v38 =	vpop (erf)  }
0x91: {  	v25 =	vadd.f32 v38, v27;
	v13 =	vadd.f32 v15, v13;
	_ =	sdelay $0x1  }
0x92: {  	v13 =	vadd.f32 v25, v13;
	_ =	sdelay $0x1  }
0x93: {  	v39 =	vand.u32 $0x7FFFFF, v13  }
0x94: {  	v15 =	vor.u32 $0x3F800000, v39  }
0x95: {  	v40 =	vmul.f32 $5.000000000e-01, v15  }
0x96: {  	vm1 =	vgt.f32 v15, $1.414213540e+00  }
0x97: {  	v15 =	vsel vm1, v40, v15  }
0x98: {  	s31 =	sand.u32 $0x780, s25;
	v25 =	vadd.f32 $1.000000000e+00, v15  }
0x99: {  	s0 =	sor.u32 s31, s28  }
0x9a: {  	v41 =	vld [tilespmem:s0+$0xC000];
	(erf) = vrcp.f32 v25;
	_ =	sdelay $0x4  }
0x9b: {  	vm11 =	veq.s32 v41, $0x0  }
0x9c: {  	vm12 =	veq.s32 v41, $0x1;
	vm13 =	veq.s32 v41, $0x2;
	vm14 =	veq.s32 v41, $0x3  }
0x9d: {  	vm15 =	veq.s32 v41, $0x4;
	vm4 =	veq.s32 v41, $0x5;
	vm8 =	veq.s32 v41, $0x6  }
0x9e: {  	vm9 =	veq.s32 v41, $0x7;
	vm10 =	veq.s32 v41, $0x8;
	v15 =	vadd.f32 $-1.000000000e+00, v15  }
0x9f: {  	v7 =	vnsel vm11, $0x0, v7;
	v8 =	vnsel vm12, $0x0, v8;
	v9 =	vnsel vm13, $0x0, v9;
	v25 =	vpop (erf)  }
0xa0: {  	v10 =	vnsel vm14, $0x0, v10;
	v11 =	vnsel vm15, $0x0, v11;
	v15 =	vmul.f32 v25, v15  }
0xa1: {  	v12 =	vnsel vm4, $0x0, v12;
	v14 =	vnsel vm8, $0x0, v14;
	v16 =	vnsel vm9, $0x0, v16  }
0xa2: {  	vm11 =	veq.s32 v41, $0x9;
	vm12 =	veq.s32 v41, $0xA;
	v25 =	vmul.f32 v15, v15  }
0xa3: {  	v17 =	vnsel vm10, $0x0, v17;
	vm13 =	veq.s32 v41, $0xB;
	vm14 =	veq.s32 v41, $0xC  }
0xa4: {  	vm15 =	veq.s32 v41, $0xD;
	vm8 =	veq.s32 v41, $0xE;
	v42 =	vmul.f32 $1.111111120e-01, v25  }
0xa5: {  	vm9 =	veq.s32 v41, $0xF;
	vm10 =	veq.s32 v41, $0x10;
	v18 =	vnsel vm11, $0x0, v18  }
0xa6: {  	v19 =	vnsel vm12, $0x0, v19;
	v20 =	vnsel vm13, $0x0, v20;
	v29 =	vadd.f32 $1.428571490e-01, v42  }
0xa7: {  	v21 =	vnsel vm14, $0x0, v21;
	v22 =	vnsel vm15, $0x0, v22;
	v23 =	vnsel vm8, $0x0, v23  }
0xa8: {  	v24 =	vnsel vm9, $0x0, v24;
	v7 =	vadd.f32 v8, v7;
	v43 =	vmul.f32 v29, v25  }
0xa9: {  	v26 =	vnsel vm10, $0x0, v26;
	v9 =	vadd.f32 v10, v9;
	v44 =	vadd.f32 v12, v11  }
0xaa: {  	vm11 =	veq.s32 v41, $0x11;
	v45 =	vadd.f32 v16, v14;
	v8 =	vadd.f32 $2.000000030e-01, v43  }
0xab: {  	v46 =	vnsel vm11, $0x0, v28;
	v47 =	vadd.f32 v18, v17;
	v48 =	vadd.f32 v20, v19  }
0xac: {  	v49 =	vadd.f32 v22, v21;
	v50 =	vadd.f32 v24, v23;
	v8 =	vmul.f32 v8, v25  }
0xad: {  	vm12 =	veq.s32 v41, $0x12;
	v12 =	vadd.f32 v46, v26;
	v7 =	vadd.f32 v9, v7  }
0xae: {  	v51 =	vnsel vm12, $0x0, v32;
	v10 =	vadd.f32 v45, v44;
	v8 =	vadd.f32 $3.333333430e-01, v8  }
0xaf: {  	v52 =	vadd.f32 v48, v47;
	v53 =	vadd.f32 v50, v49;
	v13 =	vshrl.u32 v13, $0x17  }
0xb0: {  	v13 =	vand.u32 $0xFF, v13;
	v54 =	vsel vm1, $0xFFFFFF82, v1;
	v8 =	vmul.f32 v8, v25  }
0xb1: {  	v7 =	vadd.f32 v10, v7;
	v55 =	vadd.f32 v53, v52;
	v56 =	vadd.s32 v13, v54  }
0xb2: {  	v11 =	vcvt.s32.f32 v56;
	v57 =	vadd.f32 v15, v15;
	v8 =	vadd.f32 $1.000000000e+00, v8  }
0xb3: {  	v9 =	vadd.f32 v51, v12  }
0xb4: {  	v7 =	vadd.f32 v55, v7;
	v58 =	vmul.f32 $6.931471820e-01, v11;
	v8 =	vmul.f32 v8, v57;
	_ =	sdelay $0x1  }
0xb5: {  	v7 =	vadd.f32 v9, v7;
	v8 =	vadd.f32 v8, v58;
	_ =	sdelay $0x1  }
0xb6: {  	vm13 =	vgt.f32 v6, $3.566749390e-01;
	v7 =	vsub.f32 v8, v7  }
0xb7: {  	vm14 =	veq.s32 v41, $0xFF;
	v6 =	vnsel vm13, $0x0, v6;
	v60 =	vsel vm0, $0x0, v2  }
0xb8: {  	v4 =	vadd.f32 v60, v4;
	v59 =	vsel vm13, $0x3F800000, v0;
	v7 =	vsel vm14, $0x0, v7  }
0xb9: {  	p0 =	sne.s32 s25, $0x7E0;
	v5 =	vadd.f32 v59, v5;
	v63 =	vsel vm14, $0x0, v2;
	vm15 =	vgt.f32 v7, $3.566749390e-01  }
.Ltmp0:
0xba: {  	v3 =	vadd.f32 v6, v3;
	v4 =	vadd.f32 v63, v4;
	v61 =	vsel vm15, $0x3F800000, v0;
	(pc) =	sbr.rel @p0 .LBB2_3-.Ltmp0, $4  }
0xbb: {  	[tilespmem:s0+$0xC800] =	vst v7;
	v62 =	vnsel vm15, $0x0, v7;
	v5 =	vadd.f32 v61, v5  }
0xbc: {  	[tilespmem:$0xD180] =	vst v4;
	v3 =	vadd.f32 v62, v3  }
0xbd: {  	s21 =	sadd.s32 $0x1, s21;
	s24 =	sadd.s32 $0x100, s24;
	[tilespmem:$0xD080] =	vst v5  }
0xbe: {  	s22 =	sadd.s32 $0x20, s22;
	s23 =	sadd.s32 $0x20, s23;
	s25 =	sadd.s32 $0x20, s25;
	[tilespmem:$0xD100] =	vst v3  }
0xbf: {  	s0 =	sshll.u32 s20, $0x1  }
0xc0: {  	s19 =	sadd.s32 $0x1, s19;
	s0 =	sor.u32 s7, s0  }
0xc1: {  	p0 =	sne.s32 s19, $0x8;
	s0 =	sshrl.u32 s0, $0x3  }
.Ltmp1:
0xc2: {  	s0 =	sadd.s32 s3, s0;
	(pc) =	sbr.rel @p0 .LBB2_2-.Ltmp1, $4  }
0xc3: {  	[hbm4b:s0+s13] =	stream.strided.scatter [tilespmem:s16], [sflag:$0x1], $0x800, s15, s13, $0x38;
	[tilespmem:$0xD200] =	vst v63  }
0xc4: {  	_ =	swait.ge [sflag:s12], $0x800  }
0xc5: {  	[sflag:s12] =	ssyncset.done $0x0  }
0xc6: {  	[sflag:s12] =	ssyncadd.s32 $0xFFFFF800  }
0xc7: {  	v3 =	vld [tilespmem:$0xD080]  }
0xc8: {  	v4 =	vld [tilespmem:$0xD100]  }
0xc9: {  	v5 =	vld [tilespmem:$0xD180];
	_ =	sdelay $0x1  }
0xca: {  	[tilespmem:$0xD030] =	vst v0  }
0xcb: {  	[tilespmem:$0xD000] =	vst v3  }
0xcc: {  	[tilespmem:$0xD010] =	vst v4  }
0xcd: {  	s0 =	simm.s32 $0x0;
	s1 =	rddreg [dreg:$0x2];
	s2 =	simm.s32 $0xD000;
	[tilespmem:$0xD020] =	vst v5  }
0xce: {  	[hbm4b:s1+s0] =	stream.linear.scatter [tilespmem:s2], [sflag:$0x1], $0x80, $0x38;
	[tilespmem:$0xD200] =	vst v63  }
0xcf: {  	_ =	swait.ge [sflag:s12], $0x80  }
0xd0: {  	s30 =	rddreg [dreg:$0x4]  }
0xd1: {  	s31 =	rddreg [dreg:$0x3];
	s1 =	sadd.s32 $0x1, s30  }
0xd2: {  	p0 =	sne.s32 s1, s31  }
.Ltmp2:
0xd3: {  	_ = 	snop;
	(pc) =	sbr.rel @p0 .LBB2_1-.Ltmp2, $3  }
0xd4: {  	_ =	sdelay $0x1  }
0xd5: {  	[sflag:s12] =	ssyncset.done $0x0  }
0xd6: {  	[sflag:s12] =	ssyncadd.s32 $0xFFFFFF80  }
0xd7: {  	_ =	sfence.sel $0x180000  }
0xd8: {  	[bflag:$0x0] =	sbarrier.arrive $0xFFFF  }
0xd9: {  	_ =	strace $0x90000047  }
0xda: {  	s0 =	stileid.u32;
	[bflag:$0x2] =	sbarrier.arrive $0xFFFF  }
0xdb: {  	p0 =	sne.s32 s0, $0x0;
	s0 =	rddreg [dreg:$0x1]  }
0xdc: {  	s0 =	sadd.s32 @!p0 $0x100000, s0  }
0xdd: {  	[sflag:s0] =	ssyncadd.tile.s32 @!p0 $0x1;
	_ =	shalt  }
.Lfunc_end2:
_tile_overlayer_lowered:
.L_overlay_start_2:
0xde: {  	(tag) =	ssettag $0x2  }
0xdf: {  	s0 =	rddreg [dreg:$0x0];
	s2 =	stileid.u32  }
0xe0: {  	s1 =	rddreg [dreg:$0x1];
	p0 =	sne.s32 s2, $0x0  }
0xe1: {  	s3 =	rddreg [dreg:$0x2];
	[bflag:$0x3] =	sbarrier.arrive $0xFFFF;
	s2 =	simm.s32 @!p0 $0x1C01  }
0xe2: {  	[timem:s3], [sflag:s2] =	dma.local @!p0 [hbm:s0], s1  }
0xe3: {  	s0 =	simm.s32 @!p0 $0x1  }
0xe4: {  	_ =	swait.ge @!p0 [sflag:s0], s1  }
0xe5: {  	s1 =	ssub.s32 @!p0 $0x0, s1;
	[sflag:s0] =	ssyncset.done @!p0 $0x0  }
0xe6: {  	[sflag:s0] =	ssyncadd.s32 @!p0 s1  }
0xe7: {  	[bflag:$0x3] =	sbarrier.arrive $0xFFFF  }
0xe8: {  	_ =	shalt  }

</sc_bundles>
